<compile_context>
chip_gen: v7x
topology: tpu7x:2x2x1
jax: 0.10.2.dev20260603
libtpu: 0.0.44.dev20260713+nightly
codegen_flags: <defaults>
</compile_context>

<pallas_src>
import functools

import jax
import jax.numpy as jnp
from jax import lax
from jax.experimental import pallas as pl
from jax.experimental.pallas import tpu as pltpu
from jax.experimental.pallas import tpu_sc as plsc

B = 16384
D = 64
DP = 128
NCOL = 10
NC, NS = 2, 16
NW = NC * NS
CH = 256
NCHUNK = (B * NCOL) // (NW * CH)
BI = B // NW
BJ = 8 * B // NW
CI = BI // CH
CJ = BJ // CH

_MESH = plsc.VectorSubcoreMesh(core_axis_name="c", subcore_axis_name="s")


@functools.partial(
    pl.kernel,
    mesh=_MESH,
    compiler_params=pltpu.CompilerParams(use_tc_tiling_on_sc=False),
    out_type=[
        jax.ShapeDtypeStruct((B, DP), jnp.float32),
        jax.ShapeDtypeStruct((B, DP), jnp.float32),
        jax.ShapeDtypeStruct((8 * B, DP), jnp.float32),
    ],
    scratch_types=(
        [pltpu.VMEM((CH,), jnp.int32) for _ in range(NCHUNK)]
        + [
            pltpu.VMEM((CH, DP), jnp.float32),
            pltpu.VMEM((CH, DP), jnp.float32),
            pltpu.SemaphoreType.DMA,
            pltpu.SemaphoreType.DMA,
        ]
    ),
)
def _gather(table_hbm, idx_hbm, o_i, o_k, o_j, *scratch):
    idxv = scratch[:NCHUNK]
    buf0, buf1, sem0, sem1 = scratch[NCHUNK:]
    wid = lax.axis_index("s") * NC + lax.axis_index("c")
    for t in range(NCHUNK):
        pltpu.sync_copy(idx_hbm.at[wid, t], idxv[t])

    def out_slice(t):
        if t < CI:
            return o_i.at[pl.ds(wid * BI + t * CH, CH)]
        if t < 2 * CI:
            return o_k.at[pl.ds(wid * BI + (t - CI) * CH, CH)]
        return o_j.at[pl.ds(wid * BJ + (t - 2 * CI) * CH, CH)]

    bufs = (buf0, buf1)
    sems = (sem0, sem1)
    copies = [None, None]
    for t in range(NCHUNK):
        b = t % 2
        copies[b] = pltpu.async_copy(table_hbm.at[idxv[t]], bufs[b], sems[b])
        if t >= 1:
            copies[1 - b].wait()
            pltpu.sync_copy(bufs[1 - b], out_slice(t - 1))
    last = (NCHUNK - 1) % 2
    copies[last].wait()
    pltpu.sync_copy(bufs[last], out_slice(NCHUNK - 1))


def kernel(items, table):
    items = items.astype(jnp.int32)
    table_p = jnp.pad(table, ((0, 0), (0, DP - D)))
    idx_all = jnp.concatenate(
        [
            items[:, 0].reshape(NW, CI, CH),
            items[:, 1].reshape(NW, CI, CH),
            items[:, 2:].reshape(NW, CJ, CH),
        ],
        axis=1,
    )
    o_i, o_k, o_j = _gather(table_p, idx_all)
    return (o_i[:, :D], o_k[:, :D], o_j[:, :D].reshape(B, 8, D))

# --- scband reference (transcript-rebuilt; emitter-appended) ---
"""Pipeline reference for scband-bprembedding-model-24558622999181 (READ-ONLY COPY).

The authoritative reference and input builder live on the scoring server;
editing this copy changes nothing except your own understanding.
"""

import jax, jax.numpy as jnp
import numpy as np

NUM_ITEMS = 1000000
EMB_DIM = 64
BATCH = 16384
N_COLS = 10  # [target, pos, 8 negatives]


def setup_inputs(seed: int = 0) -> dict:
    key = jax.random.key(seed)
    k1, k2 = jax.random.split(key)
    items = jax.random.randint(k1, (BATCH, N_COLS), 0, NUM_ITEMS)
    table = jax.random.normal(k2, (NUM_ITEMS, EMB_DIM), dtype=jnp.float32) * 0.02
    return {"items": items, "table": table}


def reference(items, table):
    item_target = items[:, 0]
    item_pos = items[:, 1]
    item_neg = items[:, 2:]
    v_i = jnp.take(table, item_target, axis=0)
    v_k = jnp.take(table, item_pos, axis=0)
    v_j = jnp.take(table, item_neg, axis=0)
    return (v_i, v_k, v_j)

if __name__ == "__main__":
    import jax
    _d = setup_inputs()
    print(jax.jit(kernel)(*tuple(_d.values())))

</pallas_src>

<mosaic_0001>
#map = affine_map<(d0, d1) -> (0, 0)>
#map1 = affine_map<(d0, d1) -> (0, 0, 0)>
module attributes {stable_mosaic.version = 14 : i64} {
  func.func @_gather(%arg0: i32, %arg1: i32, %arg2: memref<1000000x128xf32, #tpu.memory_space<hbm>>, %arg3: memref<32x20x256xi32, #tpu.memory_space<hbm>>, %arg4: memref<16384x128xf32, #tpu.memory_space<hbm>>, %arg5: memref<16384x128xf32, #tpu.memory_space<hbm>>, %arg6: memref<131072x128xf32, #tpu.memory_space<hbm>>, %arg7: memref<256xi32, #tpu.memory_space<vmem>>, %arg8: memref<256xi32, #tpu.memory_space<vmem>>, %arg9: memref<256xi32, #tpu.memory_space<vmem>>, %arg10: memref<256xi32, #tpu.memory_space<vmem>>, %arg11: memref<256xi32, #tpu.memory_space<vmem>>, %arg12: memref<256xi32, #tpu.memory_space<vmem>>, %arg13: memref<256xi32, #tpu.memory_space<vmem>>, %arg14: memref<256xi32, #tpu.memory_space<vmem>>, %arg15: memref<256xi32, #tpu.memory_space<vmem>>, %arg16: memref<256xi32, #tpu.memory_space<vmem>>, %arg17: memref<256xi32, #tpu.memory_space<vmem>>, %arg18: memref<256xi32, #tpu.memory_space<vmem>>, %arg19: memref<256xi32, #tpu.memory_space<vmem>>, %arg20: memref<256xi32, #tpu.memory_space<vmem>>, %arg21: memref<256xi32, #tpu.memory_space<vmem>>, %arg22: memref<256xi32, #tpu.memory_space<vmem>>, %arg23: memref<256xi32, #tpu.memory_space<vmem>>, %arg24: memref<256xi32, #tpu.memory_space<vmem>>, %arg25: memref<256xi32, #tpu.memory_space<vmem>>, %arg26: memref<256xi32, #tpu.memory_space<vmem>>, %arg27: memref<256x128xf32, #tpu.memory_space<vmem>>, %arg28: memref<256x128xf32, #tpu.memory_space<vmem>>, %arg29: memref<!tpu.dma_semaphore, #tpu.memory_space<semaphore_mem>>, %arg30: memref<!tpu.dma_semaphore, #tpu.memory_space<semaphore_mem>>) attributes {dimension_semantics = [#tpu.dimension_semantics<core_parallel>, #tpu.dimension_semantics<subcore_parallel>], iteration_bounds = array<i64: 2, 16>, scalar_prefetch = 0 : i64, scratch_operands = 24 : i64, tpu.core_type = #tpu.core_type<sc_vector_subcore>, window_params = [{transform_indices = #map}, {transform_indices = #map1}, {transform_indices = #map}, {transform_indices = #map}, {transform_indices = #map}]} {
    %mul3A = arith.constant 2 : i32
    %mul3A_0 = arith.muli %arg1, %mul3A : i32
    %add3A = arith.addi %mul3A_0, %arg0 : i32
    %run_scoped3A = arith.constant 0 : i32
    "tpu.region"() ({
      %run_scoped3A_218 = tpu.sem_alloc : memref<!tpu.dma_semaphore, #tpu.memory_space<semaphore_mem>>
      %dma_start3A_219 = arith.constant 0 : i32
      %dma_start3A_220 = tpu.memref_slice %arg3[%add3A, %run_scoped3A, %dma_start3A_219] : memref<32x20x256xi32, #tpu.memory_space<hbm>> -> memref<1x1x256xi32, #tpu.memory_space<hbm>>
      %dma_start3A_221 = tpu.memref_squeeze %dma_start3A_220 : memref<1x1x256xi32, #tpu.memory_space<hbm>> -> memref<256xi32, #tpu.memory_space<hbm>>
      %dma_start3A_222 = arith.constant 0 : i32
      %dma_start3A_223 = tpu.memref_slice %arg3[%add3A, %run_scoped3A, %dma_start3A_222] : memref<32x20x256xi32, #tpu.memory_space<hbm>> -> memref<1x1x256xi32, #tpu.memory_space<hbm>>
      %dma_start3A_224 = tpu.memref_squeeze %dma_start3A_223 : memref<1x1x256xi32, #tpu.memory_space<hbm>> -> memref<256xi32, #tpu.memory_space<hbm>>
      tpu.enqueue_dma source(%dma_start3A_224 : memref<256xi32, #tpu.memory_space<hbm>>) target(%arg7 : memref<256xi32, #tpu.memory_space<vmem>>) target_semaphore(%run_scoped3A_218 : memref<!tpu.dma_semaphore, #tpu.memory_space<semaphore_mem>>)
      %dma_wait3A_225 = arith.constant 0 : i32
      %dma_wait3A_226 = tpu.memref_slice %arg3[%add3A, %run_scoped3A, %dma_wait3A_225] : memref<32x20x256xi32, #tpu.memory_space<hbm>> -> memref<1x1x256xi32, #tpu.memory_space<hbm>>
      %dma_wait3A_227 = tpu.memref_squeeze %dma_wait3A_226 : memref<1x1x256xi32, #tpu.memory_space<hbm>> -> memref<256xi32, #tpu.memory_space<hbm>>
      %dma_wait3A_228 = arith.constant 0 : i32
      %dma_wait3A_229 = tpu.memref_slice %arg3[%add3A, %run_scoped3A, %dma_wait3A_228] : memref<32x20x256xi32, #tpu.memory_space<hbm>> -> memref<1x1x256xi32, #tpu.memory_space<hbm>>
      %dma_wait3A_230 = tpu.memref_squeeze %dma_wait3A_229 : memref<1x1x256xi32, #tpu.memory_space<hbm>> -> memref<256xi32, #tpu.memory_space<hbm>>
      tpu.wait_dma2 semaphore(%run_scoped3A_218 : memref<!tpu.dma_semaphore, #tpu.memory_space<semaphore_mem>>) src(%dma_wait3A_230 : memref<256xi32, #tpu.memory_space<hbm>>) dst(%arg7 : memref<256xi32, #tpu.memory_space<vmem>>)
      tpu.yield
    }) : () -> ()
    %run_scoped3A_1 = arith.constant 1 : i32
    "tpu.region"() ({
      %run_scoped3A_218 = tpu.sem_alloc : memref<!tpu.dma_semaphore, #tpu.memory_space<semaphore_mem>>
      %dma_start3A_219 = arith.constant 0 : i32
      %dma_start3A_220 = tpu.memref_slice %arg3[%add3A, %run_scoped3A_1, %dma_start3A_219] : memref<32x20x256xi32, #tpu.memory_space<hbm>> -> memref<1x1x256xi32, #tpu.memory_space<hbm>>
      %dma_start3A_221 = tpu.memref_squeeze %dma_start3A_220 : memref<1x1x256xi32, #tpu.memory_space<hbm>> -> memref<256xi32, #tpu.memory_space<hbm>>
      %dma_start3A_222 = arith.constant 0 : i32
      %dma_start3A_223 = tpu.memref_slice %arg3[%add3A, %run_scoped3A_1, %dma_start3A_222] : memref<32x20x256xi32, #tpu.memory_space<hbm>> -> memref<1x1x256xi32, #tpu.memory_space<hbm>>
      %dma_start3A_224 = tpu.memref_squeeze %dma_start3A_223 : memref<1x1x256xi32, #tpu.memory_space<hbm>> -> memref<256xi32, #tpu.memory_space<hbm>>
      tpu.enqueue_dma source(%dma_start3A_224 : memref<256xi32, #tpu.memory_space<hbm>>) target(%arg8 : memref<256xi32, #tpu.memory_space<vmem>>) target_semaphore(%run_scoped3A_218 : memref<!tpu.dma_semaphore, #tpu.memory_space<semaphore_mem>>)
      %dma_wait3A_225 = arith.constant 0 : i32
      %dma_wait3A_226 = tpu.memref_slice %arg3[%add3A, %run_scoped3A_1, %dma_wait3A_225] : memref<32x20x256xi32, #tpu.memory_space<hbm>> -> memref<1x1x256xi32, #tpu.memory_space<hbm>>
      %dma_wait3A_227 = tpu.memref_squeeze %dma_wait3A_226 : memref<1x1x256xi32, #tpu.memory_space<hbm>> -> memref<256xi32, #tpu.memory_space<hbm>>
      %dma_wait3A_228 = arith.constant 0 : i32
      %dma_wait3A_229 = tpu.memref_slice %arg3[%add3A, %run_scoped3A_1, %dma_wait3A_228] : memref<32x20x256xi32, #tpu.memory_space<hbm>> -> memref<1x1x256xi32, #tpu.memory_space<hbm>>
      %dma_wait3A_230 = tpu.memref_squeeze %dma_wait3A_229 : memref<1x1x256xi32, #tpu.memory_space<hbm>> -> memref<256xi32, #tpu.memory_space<hbm>>
      tpu.wait_dma2 semaphore(%run_scoped3A_218 : memref<!tpu.dma_semaphore, #tpu.memory_space<semaphore_mem>>) src(%dma_wait3A_230 : memref<256xi32, #tpu.memory_space<hbm>>) dst(%arg8 : memref<256xi32, #tpu.memory_space<vmem>>)
      tpu.yield
    }) : () -> ()
    %run_scoped3A_2 = arith.constant 2 : i32
    "tpu.region"() ({
      %run_scoped3A_218 = tpu.sem_alloc : memref<!tpu.dma_semaphore, #tpu.memory_space<semaphore_mem>>
      %dma_start3A_219 = arith.constant 0 : i32
      %dma_start3A_220 = tpu.memref_slice %arg3[%add3A, %run_scoped3A_2, %dma_start3A_219] : memref<32x20x256xi32, #tpu.memory_space<hbm>> -> memref<1x1x256xi32, #tpu.memory_space<hbm>>
      %dma_start3A_221 = tpu.memref_squeeze %dma_start3A_220 : memref<1x1x256xi32, #tpu.memory_space<hbm>> -> memref<256xi32, #tpu.memory_space<hbm>>
      %dma_start3A_222 = arith.constant 0 : i32
      %dma_start3A_223 = tpu.memref_slice %arg3[%add3A, %run_scoped3A_2, %dma_start3A_222] : memref<32x20x256xi32, #tpu.memory_space<hbm>> -> memref<1x1x256xi32, #tpu.memory_space<hbm>>
      %dma_start3A_224 = tpu.memref_squeeze %dma_start3A_223 : memref<1x1x256xi32, #tpu.memory_space<hbm>> -> memref<256xi32, #tpu.memory_space<hbm>>
      tpu.enqueue_dma source(%dma_start3A_224 : memref<256xi32, #tpu.memory_space<hbm>>) target(%arg9 : memref<256xi32, #tpu.memory_space<vmem>>) target_semaphore(%run_scoped3A_218 : memref<!tpu.dma_semaphore, #tpu.memory_space<semaphore_mem>>)
      %dma_wait3A_225 = arith.constant 0 : i32
      %dma_wait3A_226 = tpu.memref_slice %arg3[%add3A, %run_scoped3A_2, %dma_wait3A_225] : memref<32x20x256xi32, #tpu.memory_space<hbm>> -> memref<1x1x256xi32, #tpu.memory_space<hbm>>
      %dma_wait3A_227 = tpu.memref_squeeze %dma_wait3A_226 : memref<1x1x256xi32, #tpu.memory_space<hbm>> -> memref<256xi32, #tpu.memory_space<hbm>>
      %dma_wait3A_228 = arith.constant 0 : i32
      %dma_wait3A_229 = tpu.memref_slice %arg3[%add3A, %run_scoped3A_2, %dma_wait3A_228] : memref<32x20x256xi32, #tpu.memory_space<hbm>> -> memref<1x1x256xi32, #tpu.memory_space<hbm>>
      %dma_wait3A_230 = tpu.memref_squeeze %dma_wait3A_229 : memref<1x1x256xi32, #tpu.memory_space<hbm>> -> memref<256xi32, #tpu.memory_space<hbm>>
      tpu.wait_dma2 semaphore(%run_scoped3A_218 : memref<!tpu.dma_semaphore, #tpu.memory_space<semaphore_mem>>) src(%dma_wait3A_230 : memref<256xi32, #tpu.memory_space<hbm>>) dst(%arg9 : memref<256xi32, #tpu.memory_space<vmem>>)
      tpu.yield
    }) : () -> ()
    %run_scoped3A_3 = arith.constant 3 : i32
    "tpu.region"() ({
      %run_scoped3A_218 = tpu.sem_alloc : memref<!tpu.dma_semaphore, #tpu.memory_space<semaphore_mem>>
      %dma_start3A_219 = arith.constant 0 : i32
      %dma_start3A_220 = tpu.memref_slice %arg3[%add3A, %run_scoped3A_3, %dma_start3A_219] : memref<32x20x256xi32, #tpu.memory_space<hbm>> -> memref<1x1x256xi32, #tpu.memory_space<hbm>>
      %dma_start3A_221 = tpu.memref_squeeze %dma_start3A_220 : memref<1x1x256xi32, #tpu.memory_space<hbm>> -> memref<256xi32, #tpu.memory_space<hbm>>
      %dma_start3A_222 = arith.constant 0 : i32
      %dma_start3A_223 = tpu.memref_slice %arg3[%add3A, %run_scoped3A_3, %dma_start3A_222] : memref<32x20x256xi32, #tpu.memory_space<hbm>> -> memref<1x1x256xi32, #tpu.memory_space<hbm>>
      %dma_start3A_224 = tpu.memref_squeeze %dma_start3A_223 : memref<1x1x256xi32, #tpu.memory_space<hbm>> -> memref<256xi32, #tpu.memory_space<hbm>>
      tpu.enqueue_dma source(%dma_start3A_224 : memref<256xi32, #tpu.memory_space<hbm>>) target(%arg10 : memref<256xi32, #tpu.memory_space<vmem>>) target_semaphore(%run_scoped3A_218 : memref<!tpu.dma_semaphore, #tpu.memory_space<semaphore_mem>>)
      %dma_wait3A_225 = arith.constant 0 : i32
      %dma_wait3A_226 = tpu.memref_slice %arg3[%add3A, %run_scoped3A_3, %dma_wait3A_225] : memref<32x20x256xi32, #tpu.memory_space<hbm>> -> memref<1x1x256xi32, #tpu.memory_space<hbm>>
      %dma_wait3A_227 = tpu.memref_squeeze %dma_wait3A_226 : memref<1x1x256xi32, #tpu.memory_space<hbm>> -> memref<256xi32, #tpu.memory_space<hbm>>
      %dma_wait3A_228 = arith.constant 0 : i32
      %dma_wait3A_229 = tpu.memref_slice %arg3[%add3A, %run_scoped3A_3, %dma_wait3A_228] : memref<32x20x256xi32, #tpu.memory_space<hbm>> -> memref<1x1x256xi32, #tpu.memory_space<hbm>>
      %dma_wait3A_230 = tpu.memref_squeeze %dma_wait3A_229 : memref<1x1x256xi32, #tpu.memory_space<hbm>> -> memref<256xi32, #tpu.memory_space<hbm>>
      tpu.wait_dma2 semaphore(%run_scoped3A_218 : memref<!tpu.dma_semaphore, #tpu.memory_space<semaphore_mem>>) src(%dma_wait3A_230 : memref<256xi32, #tpu.memory_space<hbm>>) dst(%arg10 : memref<256xi32, #tpu.memory_space<vmem>>)
      tpu.yield
    }) : () -> ()
    %run_scoped3A_4 = arith.constant 4 : i32
    "tpu.region"() ({
      %run_scoped3A_218 = tpu.sem_alloc : memref<!tpu.dma_semaphore, #tpu.memory_space<semaphore_mem>>
      %dma_start3A_219 = arith.constant 0 : i32
      %dma_start3A_220 = tpu.memref_slice %arg3[%add3A, %run_scoped3A_4, %dma_start3A_219] : memref<32x20x256xi32, #tpu.memory_space<hbm>> -> memref<1x1x256xi32, #tpu.memory_space<hbm>>
      %dma_start3A_221 = tpu.memref_squeeze %dma_start3A_220 : memref<1x1x256xi32, #tpu.memory_space<hbm>> -> memref<256xi32, #tpu.memory_space<hbm>>
      %dma_start3A_222 = arith.constant 0 : i32
      %dma_start3A_223 = tpu.memref_slice %arg3[%add3A, %run_scoped3A_4, %dma_start3A_222] : memref<32x20x256xi32, #tpu.memory_space<hbm>> -> memref<1x1x256xi32, #tpu.memory_space<hbm>>
      %dma_start3A_224 = tpu.memref_squeeze %dma_start3A_223 : memref<1x1x256xi32, #tpu.memory_space<hbm>> -> memref<256xi32, #tpu.memory_space<hbm>>
      tpu.enqueue_dma source(%dma_start3A_224 : memref<256xi32, #tpu.memory_space<hbm>>) target(%arg11 : memref<256xi32, #tpu.memory_space<vmem>>) target_semaphore(%run_scoped3A_218 : memref<!tpu.dma_semaphore, #tpu.memory_space<semaphore_mem>>)
      %dma_wait3A_225 = arith.constant 0 : i32
      %dma_wait3A_226 = tpu.memref_slice %arg3[%add3A, %run_scoped3A_4, %dma_wait3A_225] : memref<32x20x256xi32, #tpu.memory_space<hbm>> -> memref<1x1x256xi32, #tpu.memory_space<hbm>>
      %dma_wait3A_227 = tpu.memref_squeeze %dma_wait3A_226 : memref<1x1x256xi32, #tpu.memory_space<hbm>> -> memref<256xi32, #tpu.memory_space<hbm>>
      %dma_wait3A_228 = arith.constant 0 : i32
      %dma_wait3A_229 = tpu.memref_slice %arg3[%add3A, %run_scoped3A_4, %dma_wait3A_228] : memref<32x20x256xi32, #tpu.memory_space<hbm>> -> memref<1x1x256xi32, #tpu.memory_space<hbm>>
      %dma_wait3A_230 = tpu.memref_squeeze %dma_wait3A_229 : memref<1x1x256xi32, #tpu.memory_space<hbm>> -> memref<256xi32, #tpu.memory_space<hbm>>
      tpu.wait_dma2 semaphore(%run_scoped3A_218 : memref<!tpu.dma_semaphore, #tpu.memory_space<semaphore_mem>>) src(%dma_wait3A_230 : memref<256xi32, #tpu.memory_space<hbm>>) dst(%arg11 : memref<256xi32, #tpu.memory_space<vmem>>)
      tpu.yield
    }) : () -> ()
    %run_scoped3A_5 = arith.constant 5 : i32
    "tpu.region"() ({
      %run_scoped3A_218 = tpu.sem_alloc : memref<!tpu.dma_semaphore, #tpu.memory_space<semaphore_mem>>
      %dma_start3A_219 = arith.constant 0 : i32
      %dma_start3A_220 = tpu.memref_slice %arg3[%add3A, %run_scoped3A_5, %dma_start3A_219] : memref<32x20x256xi32, #tpu.memory_space<hbm>> -> memref<1x1x256xi32, #tpu.memory_space<hbm>>
      %dma_start3A_221 = tpu.memref_squeeze %dma_start3A_220 : memref<1x1x256xi32, #tpu.memory_space<hbm>> -> memref<256xi32, #tpu.memory_space<hbm>>
      %dma_start3A_222 = arith.constant 0 : i32
      %dma_start3A_223 = tpu.memref_slice %arg3[%add3A, %run_scoped3A_5, %dma_start3A_222] : memref<32x20x256xi32, #tpu.memory_space<hbm>> -> memref<1x1x256xi32, #tpu.memory_space<hbm>>
      %dma_start3A_224 = tpu.memref_squeeze %dma_start3A_223 : memref<1x1x256xi32, #tpu.memory_space<hbm>> -> memref<256xi32, #tpu.memory_space<hbm>>
      tpu.enqueue_dma source(%dma_start3A_224 : memref<256xi32, #tpu.memory_space<hbm>>) target(%arg12 : memref<256xi32, #tpu.memory_space<vmem>>) target_semaphore(%run_scoped3A_218 : memref<!tpu.dma_semaphore, #tpu.memory_space<semaphore_mem>>)
      %dma_wait3A_225 = arith.constant 0 : i32
      %dma_wait3A_226 = tpu.memref_slice %arg3[%add3A, %run_scoped3A_5, %dma_wait3A_225] : memref<32x20x256xi32, #tpu.memory_space<hbm>> -> memref<1x1x256xi32, #tpu.memory_space<hbm>>
      %dma_wait3A_227 = tpu.memref_squeeze %dma_wait3A_226 : memref<1x1x256xi32, #tpu.memory_space<hbm>> -> memref<256xi32, #tpu.memory_space<hbm>>
      %dma_wait3A_228 = arith.constant 0 : i32
      %dma_wait3A_229 = tpu.memref_slice %arg3[%add3A, %run_scoped3A_5, %dma_wait3A_228] : memref<32x20x256xi32, #tpu.memory_space<hbm>> -> memref<1x1x256xi32, #tpu.memory_space<hbm>>
      %dma_wait3A_230 = tpu.memref_squeeze %dma_wait3A_229 : memref<1x1x256xi32, #tpu.memory_space<hbm>> -> memref<256xi32, #tpu.memory_space<hbm>>
      tpu.wait_dma2 semaphore(%run_scoped3A_218 : memref<!tpu.dma_semaphore, #tpu.memory_space<semaphore_mem>>) src(%dma_wait3A_230 : memref<256xi32, #tpu.memory_space<hbm>>) dst(%arg12 : memref<256xi32, #tpu.memory_space<vmem>>)
      tpu.yield
    }) : () -> ()
    %run_scoped3A_6 = arith.constant 6 : i32
    "tpu.region"() ({
      %run_scoped3A_218 = tpu.sem_alloc : memref<!tpu.dma_semaphore, #tpu.memory_space<semaphore_mem>>
      %dma_start3A_219 = arith.constant 0 : i32
      %dma_start3A_220 = tpu.memref_slice %arg3[%add3A, %run_scoped3A_6, %dma_start3A_219] : memref<32x20x256xi32, #tpu.memory_space<hbm>> -> memref<1x1x256xi32, #tpu.memory_space<hbm>>
      %dma_start3A_221 = tpu.memref_squeeze %dma_start3A_220 : memref<1x1x256xi32, #tpu.memory_space<hbm>> -> memref<256xi32, #tpu.memory_space<hbm>>
      %dma_start3A_222 = arith.constant 0 : i32
      %dma_start3A_223 = tpu.memref_slice %arg3[%add3A, %run_scoped3A_6, %dma_start3A_222] : memref<32x20x256xi32, #tpu.memory_space<hbm>> -> memref<1x1x256xi32, #tpu.memory_space<hbm>>
      %dma_start3A_224 = tpu.memref_squeeze %dma_start3A_223 : memref<1x1x256xi32, #tpu.memory_space<hbm>> -> memref<256xi32, #tpu.memory_space<hbm>>
      tpu.enqueue_dma source(%dma_start3A_224 : memref<256xi32, #tpu.memory_space<hbm>>) target(%arg13 : memref<256xi32, #tpu.memory_space<vmem>>) target_semaphore(%run_scoped3A_218 : memref<!tpu.dma_semaphore, #tpu.memory_space<semaphore_mem>>)
      %dma_wait3A_225 = arith.constant 0 : i32
      %dma_wait3A_226 = tpu.memref_slice %arg3[%add3A, %run_scoped3A_6, %dma_wait3A_225] : memref<32x20x256xi32, #tpu.memory_space<hbm>> -> memref<1x1x256xi32, #tpu.memory_space<hbm>>
      %dma_wait3A_227 = tpu.memref_squeeze %dma_wait3A_226 : memref<1x1x256xi32, #tpu.memory_space<hbm>> -> memref<256xi32, #tpu.memory_space<hbm>>
      %dma_wait3A_228 = arith.constant 0 : i32
      %dma_wait3A_229 = tpu.memref_slice %arg3[%add3A, %run_scoped3A_6, %dma_wait3A_228] : memref<32x20x256xi32, #tpu.memory_space<hbm>> -> memref<1x1x256xi32, #tpu.memory_space<hbm>>
      %dma_wait3A_230 = tpu.memref_squeeze %dma_wait3A_229 : memref<1x1x256xi32, #tpu.memory_space<hbm>> -> memref<256xi32, #tpu.memory_space<hbm>>
      tpu.wait_dma2 semaphore(%run_scoped3A_218 : memref<!tpu.dma_semaphore, #tpu.memory_space<semaphore_mem>>) src(%dma_wait3A_230 : memref<256xi32, #tpu.memory_space<hbm>>) dst(%arg13 : memref<256xi32, #tpu.memory_space<vmem>>)
      tpu.yield
    }) : () -> ()
    %run_scoped3A_7 = arith.constant 7 : i32
    "tpu.region"() ({
      %run_scoped3A_218 = tpu.sem_alloc : memref<!tpu.dma_semaphore, #tpu.memory_space<semaphore_mem>>
      %dma_start3A_219 = arith.constant 0 : i32
      %dma_start3A_220 = tpu.memref_slice %arg3[%add3A, %run_scoped3A_7, %dma_start3A_219] : memref<32x20x256xi32, #tpu.memory_space<hbm>> -> memref<1x1x256xi32, #tpu.memory_space<hbm>>
      %dma_start3A_221 = tpu.memref_squeeze %dma_start3A_220 : memref<1x1x256xi32, #tpu.memory_space<hbm>> -> memref<256xi32, #tpu.memory_space<hbm>>
      %dma_start3A_222 = arith.constant 0 : i32
      %dma_start3A_223 = tpu.memref_slice %arg3[%add3A, %run_scoped3A_7, %dma_start3A_222] : memref<32x20x256xi32, #tpu.memory_space<hbm>> -> memref<1x1x256xi32, #tpu.memory_space<hbm>>
      %dma_start3A_224 = tpu.memref_squeeze %dma_start3A_223 : memref<1x1x256xi32, #tpu.memory_space<hbm>> -> memref<256xi32, #tpu.memory_space<hbm>>
      tpu.enqueue_dma source(%dma_start3A_224 : memref<256xi32, #tpu.memory_space<hbm>>) target(%arg14 : memref<256xi32, #tpu.memory_space<vmem>>) target_semaphore(%run_scoped3A_218 : memref<!tpu.dma_semaphore, #tpu.memory_space<semaphore_mem>>)
      %dma_wait3A_225 = arith.constant 0 : i32
      %dma_wait3A_226 = tpu.memref_slice %arg3[%add3A, %run_scoped3A_7, %dma_wait3A_225] : memref<32x20x256xi32, #tpu.memory_space<hbm>> -> memref<1x1x256xi32, #tpu.memory_space<hbm>>
      %dma_wait3A_227 = tpu.memref_squeeze %dma_wait3A_226 : memref<1x1x256xi32, #tpu.memory_space<hbm>> -> memref<256xi32, #tpu.memory_space<hbm>>
      %dma_wait3A_228 = arith.constant 0 : i32
      %dma_wait3A_229 = tpu.memref_slice %arg3[%add3A, %run_scoped3A_7, %dma_wait3A_228] : memref<32x20x256xi32, #tpu.memory_space<hbm>> -> memref<1x1x256xi32, #tpu.memory_space<hbm>>
      %dma_wait3A_230 = tpu.memref_squeeze %dma_wait3A_229 : memref<1x1x256xi32, #tpu.memory_space<hbm>> -> memref<256xi32, #tpu.memory_space<hbm>>
      tpu.wait_dma2 semaphore(%run_scoped3A_218 : memref<!tpu.dma_semaphore, #tpu.memory_space<semaphore_mem>>) src(%dma_wait3A_230 : memref<256xi32, #tpu.memory_space<hbm>>) dst(%arg14 : memref<256xi32, #tpu.memory_space<vmem>>)
      tpu.yield
    }) : () -> ()
    %run_scoped3A_8 = arith.constant 8 : i32
    "tpu.region"() ({
      %run_scoped3A_218 = tpu.sem_alloc : memref<!tpu.dma_semaphore, #tpu.memory_space<semaphore_mem>>
      %dma_start3A_219 = arith.constant 0 : i32
      %dma_start3A_220 = tpu.memref_slice %arg3[%add3A, %run_scoped3A_8, %dma_start3A_219] : memref<32x20x256xi32, #tpu.memory_space<hbm>> -> memref<1x1x256xi32, #tpu.memory_space<hbm>>
      %dma_start3A_221 = tpu.memref_squeeze %dma_start3A_220 : memref<1x1x256xi32, #tpu.memory_space<hbm>> -> memref<256xi32, #tpu.memory_space<hbm>>
      %dma_start3A_222 = arith.constant 0 : i32
      %dma_start3A_223 = tpu.memref_slice %arg3[%add3A, %run_scoped3A_8, %dma_start3A_222] : memref<32x20x256xi32, #tpu.memory_space<hbm>> -> memref<1x1x256xi32, #tpu.memory_space<hbm>>
      %dma_start3A_224 = tpu.memref_squeeze %dma_start3A_223 : memref<1x1x256xi32, #tpu.memory_space<hbm>> -> memref<256xi32, #tpu.memory_space<hbm>>
      tpu.enqueue_dma source(%dma_start3A_224 : memref<256xi32, #tpu.memory_space<hbm>>) target(%arg15 : memref<256xi32, #tpu.memory_space<vmem>>) target_semaphore(%run_scoped3A_218 : memref<!tpu.dma_semaphore, #tpu.memory_space<semaphore_mem>>)
      %dma_wait3A_225 = arith.constant 0 : i32
      %dma_wait3A_226 = tpu.memref_slice %arg3[%add3A, %run_scoped3A_8, %dma_wait3A_225] : memref<32x20x256xi32, #tpu.memory_space<hbm>> -> memref<1x1x256xi32, #tpu.memory_space<hbm>>
      %dma_wait3A_227 = tpu.memref_squeeze %dma_wait3A_226 : memref<1x1x256xi32, #tpu.memory_space<hbm>> -> memref<256xi32, #tpu.memory_space<hbm>>
      %dma_wait3A_228 = arith.constant 0 : i32
      %dma_wait3A_229 = tpu.memref_slice %arg3[%add3A, %run_scoped3A_8, %dma_wait3A_228] : memref<32x20x256xi32, #tpu.memory_space<hbm>> -> memref<1x1x256xi32, #tpu.memory_space<hbm>>
      %dma_wait3A_230 = tpu.memref_squeeze %dma_wait3A_229 : memref<1x1x256xi32, #tpu.memory_space<hbm>> -> memref<256xi32, #tpu.memory_space<hbm>>
      tpu.wait_dma2 semaphore(%run_scoped3A_218 : memref<!tpu.dma_semaphore, #tpu.memory_space<semaphore_mem>>) src(%dma_wait3A_230 : memref<256xi32, #tpu.memory_space<hbm>>) dst(%arg15 : memref<256xi32, #tpu.memory_space<vmem>>)
      tpu.yield
    }) : () -> ()
    %run_scoped3A_9 = arith.constant 9 : i32
    "tpu.region"() ({
      %run_scoped3A_218 = tpu.sem_alloc : memref<!tpu.dma_semaphore, #tpu.memory_space<semaphore_mem>>
      %dma_start3A_219 = arith.constant 0 : i32
      %dma_start3A_220 = tpu.memref_slice %arg3[%add3A, %run_scoped3A_9, %dma_start3A_219] : memref<32x20x256xi32, #tpu.memory_space<hbm>> -> memref<1x1x256xi32, #tpu.memory_space<hbm>>
      %dma_start3A_221 = tpu.memref_squeeze %dma_start3A_220 : memref<1x1x256xi32, #tpu.memory_space<hbm>> -> memref<256xi32, #tpu.memory_space<hbm>>
      %dma_start3A_222 = arith.constant 0 : i32
      %dma_start3A_223 = tpu.memref_slice %arg3[%add3A, %run_scoped3A_9, %dma_start3A_222] : memref<32x20x256xi32, #tpu.memory_space<hbm>> -> memref<1x1x256xi32, #tpu.memory_space<hbm>>
      %dma_start3A_224 = tpu.memref_squeeze %dma_start3A_223 : memref<1x1x256xi32, #tpu.memory_space<hbm>> -> memref<256xi32, #tpu.memory_space<hbm>>
      tpu.enqueue_dma source(%dma_start3A_224 : memref<256xi32, #tpu.memory_space<hbm>>) target(%arg16 : memref<256xi32, #tpu.memory_space<vmem>>) target_semaphore(%run_scoped3A_218 : memref<!tpu.dma_semaphore, #tpu.memory_space<semaphore_mem>>)
      %dma_wait3A_225 = arith.constant 0 : i32
      %dma_wait3A_226 = tpu.memref_slice %arg3[%add3A, %run_scoped3A_9, %dma_wait3A_225] : memref<32x20x256xi32, #tpu.memory_space<hbm>> -> memref<1x1x256xi32, #tpu.memory_space<hbm>>
      %dma_wait3A_227 = tpu.memref_squeeze %dma_wait3A_226 : memref<1x1x256xi32, #tpu.memory_space<hbm>> -> memref<256xi32, #tpu.memory_space<hbm>>
      %dma_wait3A_228 = arith.constant 0 : i32
      %dma_wait3A_229 = tpu.memref_slice %arg3[%add3A, %run_scoped3A_9, %dma_wait3A_228] : memref<32x20x256xi32, #tpu.memory_space<hbm>> -> memref<1x1x256xi32, #tpu.memory_space<hbm>>
      %dma_wait3A_230 = tpu.memref_squeeze %dma_wait3A_229 : memref<1x1x256xi32, #tpu.memory_space<hbm>> -> memref<256xi32, #tpu.memory_space<hbm>>
      tpu.wait_dma2 semaphore(%run_scoped3A_218 : memref<!tpu.dma_semaphore, #tpu.memory_space<semaphore_mem>>) src(%dma_wait3A_230 : memref<256xi32, #tpu.memory_space<hbm>>) dst(%arg16 : memref<256xi32, #tpu.memory_space<vmem>>)
      tpu.yield
    }) : () -> ()
    %run_scoped3A_10 = arith.constant 10 : i32
    "tpu.region"() ({
      %run_scoped3A_218 = tpu.sem_alloc : memref<!tpu.dma_semaphore, #tpu.memory_space<semaphore_mem>>
      %dma_start3A_219 = arith.constant 0 : i32
      %dma_start3A_220 = tpu.memref_slice %arg3[%add3A, %run_scoped3A_10, %dma_start3A_219] : memref<32x20x256xi32, #tpu.memory_space<hbm>> -> memref<1x1x256xi32, #tpu.memory_space<hbm>>
      %dma_start3A_221 = tpu.memref_squeeze %dma_start3A_220 : memref<1x1x256xi32, #tpu.memory_space<hbm>> -> memref<256xi32, #tpu.memory_space<hbm>>
      %dma_start3A_222 = arith.constant 0 : i32
      %dma_start3A_223 = tpu.memref_slice %arg3[%add3A, %run_scoped3A_10, %dma_start3A_222] : memref<32x20x256xi32, #tpu.memory_space<hbm>> -> memref<1x1x256xi32, #tpu.memory_space<hbm>>
      %dma_start3A_224 = tpu.memref_squeeze %dma_start3A_223 : memref<1x1x256xi32, #tpu.memory_space<hbm>> -> memref<256xi32, #tpu.memory_space<hbm>>
      tpu.enqueue_dma source(%dma_start3A_224 : memref<256xi32, #tpu.memory_space<hbm>>) target(%arg17 : memref<256xi32, #tpu.memory_space<vmem>>) target_semaphore(%run_scoped3A_218 : memref<!tpu.dma_semaphore, #tpu.memory_space<semaphore_mem>>)
      %dma_wait3A_225 = arith.constant 0 : i32
      %dma_wait3A_226 = tpu.memref_slice %arg3[%add3A, %run_scoped3A_10, %dma_wait3A_225] : memref<32x20x256xi32, #tpu.memory_space<hbm>> -> memref<1x1x256xi32, #tpu.memory_space<hbm>>
      %dma_wait3A_227 = tpu.memref_squeeze %dma_wait3A_226 : memref<1x1x256xi32, #tpu.memory_space<hbm>> -> memref<256xi32, #tpu.memory_space<hbm>>
      %dma_wait3A_228 = arith.constant 0 : i32
      %dma_wait3A_229 = tpu.memref_slice %arg3[%add3A, %run_scoped3A_10, %dma_wait3A_228] : memref<32x20x256xi32, #tpu.memory_space<hbm>> -> memref<1x1x256xi32, #tpu.memory_space<hbm>>
      %dma_wait3A_230 = tpu.memref_squeeze %dma_wait3A_229 : memref<1x1x256xi32, #tpu.memory_space<hbm>> -> memref<256xi32, #tpu.memory_space<hbm>>
      tpu.wait_dma2 semaphore(%run_scoped3A_218 : memref<!tpu.dma_semaphore, #tpu.memory_space<semaphore_mem>>) src(%dma_wait3A_230 : memref<256xi32, #tpu.memory_space<hbm>>) dst(%arg17 : memref<256xi32, #tpu.memory_space<vmem>>)
      tpu.yield
    }) : () -> ()
    %run_scoped3A_11 = arith.constant 11 : i32
    "tpu.region"() ({
      %run_scoped3A_218 = tpu.sem_alloc : memref<!tpu.dma_semaphore, #tpu.memory_space<semaphore_mem>>
      %dma_start3A_219 = arith.constant 0 : i32
      %dma_start3A_220 = tpu.memref_slice %arg3[%add3A, %run_scoped3A_11, %dma_start3A_219] : memref<32x20x256xi32, #tpu.memory_space<hbm>> -> memref<1x1x256xi32, #tpu.memory_space<hbm>>
      %dma_start3A_221 = tpu.memref_squeeze %dma_start3A_220 : memref<1x1x256xi32, #tpu.memory_space<hbm>> -> memref<256xi32, #tpu.memory_space<hbm>>
      %dma_start3A_222 = arith.constant 0 : i32
      %dma_start3A_223 = tpu.memref_slice %arg3[%add3A, %run_scoped3A_11, %dma_start3A_222] : memref<32x20x256xi32, #tpu.memory_space<hbm>> -> memref<1x1x256xi32, #tpu.memory_space<hbm>>
      %dma_start3A_224 = tpu.memref_squeeze %dma_start3A_223 : memref<1x1x256xi32, #tpu.memory_space<hbm>> -> memref<256xi32, #tpu.memory_space<hbm>>
      tpu.enqueue_dma source(%dma_start3A_224 : memref<256xi32, #tpu.memory_space<hbm>>) target(%arg18 : memref<256xi32, #tpu.memory_space<vmem>>) target_semaphore(%run_scoped3A_218 : memref<!tpu.dma_semaphore, #tpu.memory_space<semaphore_mem>>)
      %dma_wait3A_225 = arith.constant 0 : i32
      %dma_wait3A_226 = tpu.memref_slice %arg3[%add3A, %run_scoped3A_11, %dma_wait3A_225] : memref<32x20x256xi32, #tpu.memory_space<hbm>> -> memref<1x1x256xi32, #tpu.memory_space<hbm>>
      %dma_wait3A_227 = tpu.memref_squeeze %dma_wait3A_226 : memref<1x1x256xi32, #tpu.memory_space<hbm>> -> memref<256xi32, #tpu.memory_space<hbm>>
      %dma_wait3A_228 = arith.constant 0 : i32
      %dma_wait3A_229 = tpu.memref_slice %arg3[%add3A, %run_scoped3A_11, %dma_wait3A_228] : memref<32x20x256xi32, #tpu.memory_space<hbm>> -> memref<1x1x256xi32, #tpu.memory_space<hbm>>
      %dma_wait3A_230 = tpu.memref_squeeze %dma_wait3A_229 : memref<1x1x256xi32, #tpu.memory_space<hbm>> -> memref<256xi32, #tpu.memory_space<hbm>>
      tpu.wait_dma2 semaphore(%run_scoped3A_218 : memref<!tpu.dma_semaphore, #tpu.memory_space<semaphore_mem>>) src(%dma_wait3A_230 : memref<256xi32, #tpu.memory_space<hbm>>) dst(%arg18 : memref<256xi32, #tpu.memory_space<vmem>>)
      tpu.yield
    }) : () -> ()
    %run_scoped3A_12 = arith.constant 12 : i32
    "tpu.region"() ({
      %run_scoped3A_218 = tpu.sem_alloc : memref<!tpu.dma_semaphore, #tpu.memory_space<semaphore_mem>>
      %dma_start3A_219 = arith.constant 0 : i32
      %dma_start3A_220 = tpu.memref_slice %arg3[%add3A, %run_scoped3A_12, %dma_start3A_219] : memref<32x20x256xi32, #tpu.memory_space<hbm>> -> memref<1x1x256xi32, #tpu.memory_space<hbm>>
      %dma_start3A_221 = tpu.memref_squeeze %dma_start3A_220 : memref<1x1x256xi32, #tpu.memory_space<hbm>> -> memref<256xi32, #tpu.memory_space<hbm>>
      %dma_start3A_222 = arith.constant 0 : i32
      %dma_start3A_223 = tpu.memref_slice %arg3[%add3A, %run_scoped3A_12, %dma_start3A_222] : memref<32x20x256xi32, #tpu.memory_space<hbm>> -> memref<1x1x256xi32, #tpu.memory_space<hbm>>
      %dma_start3A_224 = tpu.memref_squeeze %dma_start3A_223 : memref<1x1x256xi32, #tpu.memory_space<hbm>> -> memref<256xi32, #tpu.memory_space<hbm>>
      tpu.enqueue_dma source(%dma_start3A_224 : memref<256xi32, #tpu.memory_space<hbm>>) target(%arg19 : memref<256xi32, #tpu.memory_space<vmem>>) target_semaphore(%run_scoped3A_218 : memref<!tpu.dma_semaphore, #tpu.memory_space<semaphore_mem>>)
      %dma_wait3A_225 = arith.constant 0 : i32
      %dma_wait3A_226 = tpu.memref_slice %arg3[%add3A, %run_scoped3A_12, %dma_wait3A_225] : memref<32x20x256xi32, #tpu.memory_space<hbm>> -> memref<1x1x256xi32, #tpu.memory_space<hbm>>
      %dma_wait3A_227 = tpu.memref_squeeze %dma_wait3A_226 : memref<1x1x256xi32, #tpu.memory_space<hbm>> -> memref<256xi32, #tpu.memory_space<hbm>>
      %dma_wait3A_228 = arith.constant 0 : i32
      %dma_wait3A_229 = tpu.memref_slice %arg3[%add3A, %run_scoped3A_12, %dma_wait3A_228] : memref<32x20x256xi32, #tpu.memory_space<hbm>> -> memref<1x1x256xi32, #tpu.memory_space<hbm>>
      %dma_wait3A_230 = tpu.memref_squeeze %dma_wait3A_229 : memref<1x1x256xi32, #tpu.memory_space<hbm>> -> memref<256xi32, #tpu.memory_space<hbm>>
      tpu.wait_dma2 semaphore(%run_scoped3A_218 : memref<!tpu.dma_semaphore, #tpu.memory_space<semaphore_mem>>) src(%dma_wait3A_230 : memref<256xi32, #tpu.memory_space<hbm>>) dst(%arg19 : memref<256xi32, #tpu.memory_space<vmem>>)
      tpu.yield
    }) : () -> ()
    %run_scoped3A_13 = arith.constant 13 : i32
    "tpu.region"() ({
      %run_scoped3A_218 = tpu.sem_alloc : memref<!tpu.dma_semaphore, #tpu.memory_space<semaphore_mem>>
      %dma_start3A_219 = arith.constant 0 : i32
      %dma_start3A_220 = tpu.memref_slice %arg3[%add3A, %run_scoped3A_13, %dma_start3A_219] : memref<32x20x256xi32, #tpu.memory_space<hbm>> -> memref<1x1x256xi32, #tpu.memory_space<hbm>>
      %dma_start3A_221 = tpu.memref_squeeze %dma_start3A_220 : memref<1x1x256xi32, #tpu.memory_space<hbm>> -> memref<256xi32, #tpu.memory_space<hbm>>
      %dma_start3A_222 = arith.constant 0 : i32
      %dma_start3A_223 = tpu.memref_slice %arg3[%add3A, %run_scoped3A_13, %dma_start3A_222] : memref<32x20x256xi32, #tpu.memory_space<hbm>> -> memref<1x1x256xi32, #tpu.memory_space<hbm>>
      %dma_start3A_224 = tpu.memref_squeeze %dma_start3A_223 : memref<1x1x256xi32, #tpu.memory_space<hbm>> -> memref<256xi32, #tpu.memory_space<hbm>>
      tpu.enqueue_dma source(%dma_start3A_224 : memref<256xi32, #tpu.memory_space<hbm>>) target(%arg20 : memref<256xi32, #tpu.memory_space<vmem>>) target_semaphore(%run_scoped3A_218 : memref<!tpu.dma_semaphore, #tpu.memory_space<semaphore_mem>>)
      %dma_wait3A_225 = arith.constant 0 : i32
      %dma_wait3A_226 = tpu.memref_slice %arg3[%add3A, %run_scoped3A_13, %dma_wait3A_225] : memref<32x20x256xi32, #tpu.memory_space<hbm>> -> memref<1x1x256xi32, #tpu.memory_space<hbm>>
      %dma_wait3A_227 = tpu.memref_squeeze %dma_wait3A_226 : memref<1x1x256xi32, #tpu.memory_space<hbm>> -> memref<256xi32, #tpu.memory_space<hbm>>
      %dma_wait3A_228 = arith.constant 0 : i32
      %dma_wait3A_229 = tpu.memref_slice %arg3[%add3A, %run_scoped3A_13, %dma_wait3A_228] : memref<32x20x256xi32, #tpu.memory_space<hbm>> -> memref<1x1x256xi32, #tpu.memory_space<hbm>>
      %dma_wait3A_230 = tpu.memref_squeeze %dma_wait3A_229 : memref<1x1x256xi32, #tpu.memory_space<hbm>> -> memref<256xi32, #tpu.memory_space<hbm>>
      tpu.wait_dma2 semaphore(%run_scoped3A_218 : memref<!tpu.dma_semaphore, #tpu.memory_space<semaphore_mem>>) src(%dma_wait3A_230 : memref<256xi32, #tpu.memory_space<hbm>>) dst(%arg20 : memref<256xi32, #tpu.memory_space<vmem>>)
      tpu.yield
    }) : () -> ()
    %run_scoped3A_14 = arith.constant 14 : i32
    "tpu.region"() ({
      %run_scoped3A_218 = tpu.sem_alloc : memref<!tpu.dma_semaphore, #tpu.memory_space<semaphore_mem>>
      %dma_start3A_219 = arith.constant 0 : i32
      %dma_start3A_220 = tpu.memref_slice %arg3[%add3A, %run_scoped3A_14, %dma_start3A_219] : memref<32x20x256xi32, #tpu.memory_space<hbm>> -> memref<1x1x256xi32, #tpu.memory_space<hbm>>
      %dma_start3A_221 = tpu.memref_squeeze %dma_start3A_220 : memref<1x1x256xi32, #tpu.memory_space<hbm>> -> memref<256xi32, #tpu.memory_space<hbm>>
      %dma_start3A_222 = arith.constant 0 : i32
      %dma_start3A_223 = tpu.memref_slice %arg3[%add3A, %run_scoped3A_14, %dma_start3A_222] : memref<32x20x256xi32, #tpu.memory_space<hbm>> -> memref<1x1x256xi32, #tpu.memory_space<hbm>>
      %dma_start3A_224 = tpu.memref_squeeze %dma_start3A_223 : memref<1x1x256xi32, #tpu.memory_space<hbm>> -> memref<256xi32, #tpu.memory_space<hbm>>
      tpu.enqueue_dma source(%dma_start3A_224 : memref<256xi32, #tpu.memory_space<hbm>>) target(%arg21 : memref<256xi32, #tpu.memory_space<vmem>>) target_semaphore(%run_scoped3A_218 : memref<!tpu.dma_semaphore, #tpu.memory_space<semaphore_mem>>)
      %dma_wait3A_225 = arith.constant 0 : i32
      %dma_wait3A_226 = tpu.memref_slice %arg3[%add3A, %run_scoped3A_14, %dma_wait3A_225] : memref<32x20x256xi32, #tpu.memory_space<hbm>> -> memref<1x1x256xi32, #tpu.memory_space<hbm>>
      %dma_wait3A_227 = tpu.memref_squeeze %dma_wait3A_226 : memref<1x1x256xi32, #tpu.memory_space<hbm>> -> memref<256xi32, #tpu.memory_space<hbm>>
      %dma_wait3A_228 = arith.constant 0 : i32
      %dma_wait3A_229 = tpu.memref_slice %arg3[%add3A, %run_scoped3A_14, %dma_wait3A_228] : memref<32x20x256xi32, #tpu.memory_space<hbm>> -> memref<1x1x256xi32, #tpu.memory_space<hbm>>
      %dma_wait3A_230 = tpu.memref_squeeze %dma_wait3A_229 : memref<1x1x256xi32, #tpu.memory_space<hbm>> -> memref<256xi32, #tpu.memory_space<hbm>>
      tpu.wait_dma2 semaphore(%run_scoped3A_218 : memref<!tpu.dma_semaphore, #tpu.memory_space<semaphore_mem>>) src(%dma_wait3A_230 : memref<256xi32, #tpu.memory_space<hbm>>) dst(%arg21 : memref<256xi32, #tpu.memory_space<vmem>>)
      tpu.yield
    }) : () -> ()
    %run_scoped3A_15 = arith.constant 15 : i32
    "tpu.region"() ({
      %run_scoped3A_218 = tpu.sem_alloc : memref<!tpu.dma_semaphore, #tpu.memory_space<semaphore_mem>>
      %dma_start3A_219 = arith.constant 0 : i32
      %dma_start3A_220 = tpu.memref_slice %arg3[%add3A, %run_scoped3A_15, %dma_start3A_219] : memref<32x20x256xi32, #tpu.memory_space<hbm>> -> memref<1x1x256xi32, #tpu.memory_space<hbm>>
      %dma_start3A_221 = tpu.memref_squeeze %dma_start3A_220 : memref<1x1x256xi32, #tpu.memory_space<hbm>> -> memref<256xi32, #tpu.memory_space<hbm>>
      %dma_start3A_222 = arith.constant 0 : i32
      %dma_start3A_223 = tpu.memref_slice %arg3[%add3A, %run_scoped3A_15, %dma_start3A_222] : memref<32x20x256xi32, #tpu.memory_space<hbm>> -> memref<1x1x256xi32, #tpu.memory_space<hbm>>
      %dma_start3A_224 = tpu.memref_squeeze %dma_start3A_223 : memref<1x1x256xi32, #tpu.memory_space<hbm>> -> memref<256xi32, #tpu.memory_space<hbm>>
      tpu.enqueue_dma source(%dma_start3A_224 : memref<256xi32, #tpu.memory_space<hbm>>) target(%arg22 : memref<256xi32, #tpu.memory_space<vmem>>) target_semaphore(%run_scoped3A_218 : memref<!tpu.dma_semaphore, #tpu.memory_space<semaphore_mem>>)
      %dma_wait3A_225 = arith.constant 0 : i32
      %dma_wait3A_226 = tpu.memref_slice %arg3[%add3A, %run_scoped3A_15, %dma_wait3A_225] : memref<32x20x256xi32, #tpu.memory_space<hbm>> -> memref<1x1x256xi32, #tpu.memory_space<hbm>>
      %dma_wait3A_227 = tpu.memref_squeeze %dma_wait3A_226 : memref<1x1x256xi32, #tpu.memory_space<hbm>> -> memref<256xi32, #tpu.memory_space<hbm>>
      %dma_wait3A_228 = arith.constant 0 : i32
      %dma_wait3A_229 = tpu.memref_slice %arg3[%add3A, %run_scoped3A_15, %dma_wait3A_228] : memref<32x20x256xi32, #tpu.memory_space<hbm>> -> memref<1x1x256xi32, #tpu.memory_space<hbm>>
      %dma_wait3A_230 = tpu.memref_squeeze %dma_wait3A_229 : memref<1x1x256xi32, #tpu.memory_space<hbm>> -> memref<256xi32, #tpu.memory_space<hbm>>
      tpu.wait_dma2 semaphore(%run_scoped3A_218 : memref<!tpu.dma_semaphore, #tpu.memory_space<semaphore_mem>>) src(%dma_wait3A_230 : memref<256xi32, #tpu.memory_space<hbm>>) dst(%arg22 : memref<256xi32, #tpu.memory_space<vmem>>)
      tpu.yield
    }) : () -> ()
    %run_scoped3A_16 = arith.constant 16 : i32
    "tpu.region"() ({
      %run_scoped3A_218 = tpu.sem_alloc : memref<!tpu.dma_semaphore, #tpu.memory_space<semaphore_mem>>
      %dma_start3A_219 = arith.constant 0 : i32
      %dma_start3A_220 = tpu.memref_slice %arg3[%add3A, %run_scoped3A_16, %dma_start3A_219] : memref<32x20x256xi32, #tpu.memory_space<hbm>> -> memref<1x1x256xi32, #tpu.memory_space<hbm>>
      %dma_start3A_221 = tpu.memref_squeeze %dma_start3A_220 : memref<1x1x256xi32, #tpu.memory_space<hbm>> -> memref<256xi32, #tpu.memory_space<hbm>>
      %dma_start3A_222 = arith.constant 0 : i32
      %dma_start3A_223 = tpu.memref_slice %arg3[%add3A, %run_scoped3A_16, %dma_start3A_222] : memref<32x20x256xi32, #tpu.memory_space<hbm>> -> memref<1x1x256xi32, #tpu.memory_space<hbm>>
      %dma_start3A_224 = tpu.memref_squeeze %dma_start3A_223 : memref<1x1x256xi32, #tpu.memory_space<hbm>> -> memref<256xi32, #tpu.memory_space<hbm>>
      tpu.enqueue_dma source(%dma_start3A_224 : memref<256xi32, #tpu.memory_space<hbm>>) target(%arg23 : memref<256xi32, #tpu.memory_space<vmem>>) target_semaphore(%run_scoped3A_218 : memref<!tpu.dma_semaphore, #tpu.memory_space<semaphore_mem>>)
      %dma_wait3A_225 = arith.constant 0 : i32
      %dma_wait3A_226 = tpu.memref_slice %arg3[%add3A, %run_scoped3A_16, %dma_wait3A_225] : memref<32x20x256xi32, #tpu.memory_space<hbm>> -> memref<1x1x256xi32, #tpu.memory_space<hbm>>
      %dma_wait3A_227 = tpu.memref_squeeze %dma_wait3A_226 : memref<1x1x256xi32, #tpu.memory_space<hbm>> -> memref<256xi32, #tpu.memory_space<hbm>>
      %dma_wait3A_228 = arith.constant 0 : i32
      %dma_wait3A_229 = tpu.memref_slice %arg3[%add3A, %run_scoped3A_16, %dma_wait3A_228] : memref<32x20x256xi32, #tpu.memory_space<hbm>> -> memref<1x1x256xi32, #tpu.memory_space<hbm>>
      %dma_wait3A_230 = tpu.memref_squeeze %dma_wait3A_229 : memref<1x1x256xi32, #tpu.memory_space<hbm>> -> memref<256xi32, #tpu.memory_space<hbm>>
      tpu.wait_dma2 semaphore(%run_scoped3A_218 : memref<!tpu.dma_semaphore, #tpu.memory_space<semaphore_mem>>) src(%dma_wait3A_230 : memref<256xi32, #tpu.memory_space<hbm>>) dst(%arg23 : memref<256xi32, #tpu.memory_space<vmem>>)
      tpu.yield
    }) : () -> ()
    %run_scoped3A_17 = arith.constant 17 : i32
    "tpu.region"() ({
      %run_scoped3A_218 = tpu.sem_alloc : memref<!tpu.dma_semaphore, #tpu.memory_space<semaphore_mem>>
      %dma_start3A_219 = arith.constant 0 : i32
      %dma_start3A_220 = tpu.memref_slice %arg3[%add3A, %run_scoped3A_17, %dma_start3A_219] : memref<32x20x256xi32, #tpu.memory_space<hbm>> -> memref<1x1x256xi32, #tpu.memory_space<hbm>>
      %dma_start3A_221 = tpu.memref_squeeze %dma_start3A_220 : memref<1x1x256xi32, #tpu.memory_space<hbm>> -> memref<256xi32, #tpu.memory_space<hbm>>
      %dma_start3A_222 = arith.constant 0 : i32
      %dma_start3A_223 = tpu.memref_slice %arg3[%add3A, %run_scoped3A_17, %dma_start3A_222] : memref<32x20x256xi32, #tpu.memory_space<hbm>> -> memref<1x1x256xi32, #tpu.memory_space<hbm>>
      %dma_start3A_224 = tpu.memref_squeeze %dma_start3A_223 : memref<1x1x256xi32, #tpu.memory_space<hbm>> -> memref<256xi32, #tpu.memory_space<hbm>>
      tpu.enqueue_dma source(%dma_start3A_224 : memref<256xi32, #tpu.memory_space<hbm>>) target(%arg24 : memref<256xi32, #tpu.memory_space<vmem>>) target_semaphore(%run_scoped3A_218 : memref<!tpu.dma_semaphore, #tpu.memory_space<semaphore_mem>>)
      %dma_wait3A_225 = arith.constant 0 : i32
      %dma_wait3A_226 = tpu.memref_slice %arg3[%add3A, %run_scoped3A_17, %dma_wait3A_225] : memref<32x20x256xi32, #tpu.memory_space<hbm>> -> memref<1x1x256xi32, #tpu.memory_space<hbm>>
      %dma_wait3A_227 = tpu.memref_squeeze %dma_wait3A_226 : memref<1x1x256xi32, #tpu.memory_space<hbm>> -> memref<256xi32, #tpu.memory_space<hbm>>
      %dma_wait3A_228 = arith.constant 0 : i32
      %dma_wait3A_229 = tpu.memref_slice %arg3[%add3A, %run_scoped3A_17, %dma_wait3A_228] : memref<32x20x256xi32, #tpu.memory_space<hbm>> -> memref<1x1x256xi32, #tpu.memory_space<hbm>>
      %dma_wait3A_230 = tpu.memref_squeeze %dma_wait3A_229 : memref<1x1x256xi32, #tpu.memory_space<hbm>> -> memref<256xi32, #tpu.memory_space<hbm>>
      tpu.wait_dma2 semaphore(%run_scoped3A_218 : memref<!tpu.dma_semaphore, #tpu.memory_space<semaphore_mem>>) src(%dma_wait3A_230 : memref<256xi32, #tpu.memory_space<hbm>>) dst(%arg24 : memref<256xi32, #tpu.memory_space<vmem>>)
      tpu.yield
    }) : () -> ()
    %run_scoped3A_18 = arith.constant 18 : i32
    "tpu.region"() ({
      %run_scoped3A_218 = tpu.sem_alloc : memref<!tpu.dma_semaphore, #tpu.memory_space<semaphore_mem>>
      %dma_start3A_219 = arith.constant 0 : i32
      %dma_start3A_220 = tpu.memref_slice %arg3[%add3A, %run_scoped3A_18, %dma_start3A_219] : memref<32x20x256xi32, #tpu.memory_space<hbm>> -> memref<1x1x256xi32, #tpu.memory_space<hbm>>
      %dma_start3A_221 = tpu.memref_squeeze %dma_start3A_220 : memref<1x1x256xi32, #tpu.memory_space<hbm>> -> memref<256xi32, #tpu.memory_space<hbm>>
      %dma_start3A_222 = arith.constant 0 : i32
      %dma_start3A_223 = tpu.memref_slice %arg3[%add3A, %run_scoped3A_18, %dma_start3A_222] : memref<32x20x256xi32, #tpu.memory_space<hbm>> -> memref<1x1x256xi32, #tpu.memory_space<hbm>>
      %dma_start3A_224 = tpu.memref_squeeze %dma_start3A_223 : memref<1x1x256xi32, #tpu.memory_space<hbm>> -> memref<256xi32, #tpu.memory_space<hbm>>
      tpu.enqueue_dma source(%dma_start3A_224 : memref<256xi32, #tpu.memory_space<hbm>>) target(%arg25 : memref<256xi32, #tpu.memory_space<vmem>>) target_semaphore(%run_scoped3A_218 : memref<!tpu.dma_semaphore, #tpu.memory_space<semaphore_mem>>)
      %dma_wait3A_225 = arith.constant 0 : i32
      %dma_wait3A_226 = tpu.memref_slice %arg3[%add3A, %run_scoped3A_18, %dma_wait3A_225] : memref<32x20x256xi32, #tpu.memory_space<hbm>> -> memref<1x1x256xi32, #tpu.memory_space<hbm>>
      %dma_wait3A_227 = tpu.memref_squeeze %dma_wait3A_226 : memref<1x1x256xi32, #tpu.memory_space<hbm>> -> memref<256xi32, #tpu.memory_space<hbm>>
      %dma_wait3A_228 = arith.constant 0 : i32
      %dma_wait3A_229 = tpu.memref_slice %arg3[%add3A, %run_scoped3A_18, %dma_wait3A_228] : memref<32x20x256xi32, #tpu.memory_space<hbm>> -> memref<1x1x256xi32, #tpu.memory_space<hbm>>
      %dma_wait3A_230 = tpu.memref_squeeze %dma_wait3A_229 : memref<1x1x256xi32, #tpu.memory_space<hbm>> -> memref<256xi32, #tpu.memory_space<hbm>>
      tpu.wait_dma2 semaphore(%run_scoped3A_218 : memref<!tpu.dma_semaphore, #tpu.memory_space<semaphore_mem>>) src(%dma_wait3A_230 : memref<256xi32, #tpu.memory_space<hbm>>) dst(%arg25 : memref<256xi32, #tpu.memory_space<vmem>>)
      tpu.yield
    }) : () -> ()
    %run_scoped3A_19 = arith.constant 19 : i32
    "tpu.region"() ({
      %run_scoped3A_218 = tpu.sem_alloc : memref<!tpu.dma_semaphore, #tpu.memory_space<semaphore_mem>>
      %dma_start3A_219 = arith.constant 0 : i32
      %dma_start3A_220 = tpu.memref_slice %arg3[%add3A, %run_scoped3A_19, %dma_start3A_219] : memref<32x20x256xi32, #tpu.memory_space<hbm>> -> memref<1x1x256xi32, #tpu.memory_space<hbm>>
      %dma_start3A_221 = tpu.memref_squeeze %dma_start3A_220 : memref<1x1x256xi32, #tpu.memory_space<hbm>> -> memref<256xi32, #tpu.memory_space<hbm>>
      %dma_start3A_222 = arith.constant 0 : i32
      %dma_start3A_223 = tpu.memref_slice %arg3[%add3A, %run_scoped3A_19, %dma_start3A_222] : memref<32x20x256xi32, #tpu.memory_space<hbm>> -> memref<1x1x256xi32, #tpu.memory_space<hbm>>
      %dma_start3A_224 = tpu.memref_squeeze %dma_start3A_223 : memref<1x1x256xi32, #tpu.memory_space<hbm>> -> memref<256xi32, #tpu.memory_space<hbm>>
      tpu.enqueue_dma source(%dma_start3A_224 : memref<256xi32, #tpu.memory_space<hbm>>) target(%arg26 : memref<256xi32, #tpu.memory_space<vmem>>) target_semaphore(%run_scoped3A_218 : memref<!tpu.dma_semaphore, #tpu.memory_space<semaphore_mem>>)
      %dma_wait3A_225 = arith.constant 0 : i32
      %dma_wait3A_226 = tpu.memref_slice %arg3[%add3A, %run_scoped3A_19, %dma_wait3A_225] : memref<32x20x256xi32, #tpu.memory_space<hbm>> -> memref<1x1x256xi32, #tpu.memory_space<hbm>>
      %dma_wait3A_227 = tpu.memref_squeeze %dma_wait3A_226 : memref<1x1x256xi32, #tpu.memory_space<hbm>> -> memref<256xi32, #tpu.memory_space<hbm>>
      %dma_wait3A_228 = arith.constant 0 : i32
      %dma_wait3A_229 = tpu.memref_slice %arg3[%add3A, %run_scoped3A_19, %dma_wait3A_228] : memref<32x20x256xi32, #tpu.memory_space<hbm>> -> memref<1x1x256xi32, #tpu.memory_space<hbm>>
      %dma_wait3A_230 = tpu.memref_squeeze %dma_wait3A_229 : memref<1x1x256xi32, #tpu.memory_space<hbm>> -> memref<256xi32, #tpu.memory_space<hbm>>
      tpu.wait_dma2 semaphore(%run_scoped3A_218 : memref<!tpu.dma_semaphore, #tpu.memory_space<semaphore_mem>>) src(%dma_wait3A_230 : memref<256xi32, #tpu.memory_space<hbm>>) dst(%arg26 : memref<256xi32, #tpu.memory_space<vmem>>)
      tpu.yield
    }) : () -> ()
    %dma_start3A = arith.constant 0 : i32
    %dma_start3A_20 = arith.constant 0 : i32
    %dma_start3A_21 = tpu.memref_slice %arg2[%dma_start3A, %dma_start3A_20] : memref<1000000x128xf32, #tpu.memory_space<hbm>> -> memref<1000000x128xf32, #tpu.memory_space<hbm>>
    tpu.enqueue_indirect_dma source(%dma_start3A_21 : memref<1000000x128xf32, #tpu.memory_space<hbm>>) target(%arg27 : memref<256x128xf32, #tpu.memory_space<vmem>>) offsets(%arg7 : memref<256xi32, #tpu.memory_space<vmem>>) semaphore(%arg29 : memref<!tpu.dma_semaphore, #tpu.memory_space<semaphore_mem>>)
    %dma_start3A_22 = arith.constant 0 : i32
    %dma_start3A_23 = arith.constant 0 : i32
    %dma_start3A_24 = tpu.memref_slice %arg2[%dma_start3A_22, %dma_start3A_23] : memref<1000000x128xf32, #tpu.memory_space<hbm>> -> memref<1000000x128xf32, #tpu.memory_space<hbm>>
    tpu.enqueue_indirect_dma source(%dma_start3A_24 : memref<1000000x128xf32, #tpu.memory_space<hbm>>) target(%arg28 : memref<256x128xf32, #tpu.memory_space<vmem>>) offsets(%arg8 : memref<256xi32, #tpu.memory_space<vmem>>) semaphore(%arg30 : memref<!tpu.dma_semaphore, #tpu.memory_space<semaphore_mem>>)
    %dma_wait3A = arith.constant 0 : i32
    %dma_wait3A_25 = arith.constant 0 : i32
    %dma_wait3A_26 = tpu.memref_slice %arg2[%dma_wait3A, %dma_wait3A_25] : memref<1000000x128xf32, #tpu.memory_space<hbm>> -> memref<1000000x128xf32, #tpu.memory_space<hbm>>
    tpu.wait_indirect_dma semaphore(%arg29 : memref<!tpu.dma_semaphore, #tpu.memory_space<semaphore_mem>>) src(%dma_wait3A_26 : memref<1000000x128xf32, #tpu.memory_space<hbm>>) dst(%arg27 : memref<256x128xf32, #tpu.memory_space<vmem>>)
    %mul3A_27 = arith.constant 512 : i32
    %mul3A_28 = arith.muli %add3A, %mul3A_27 : i32
    %add3A_29 = arith.constant 0 : i32
    %add3A_30 = arith.addi %mul3A_28, %add3A_29 : i32
    "tpu.region"() ({
      %run_scoped3A_218 = tpu.sem_alloc : memref<!tpu.dma_semaphore, #tpu.memory_space<semaphore_mem>>
      %dma_start3A_219 = arith.constant 0 : i32
      %dma_start3A_220 = tpu.memref_slice %arg4[%add3A_30, %dma_start3A_219] : memref<16384x128xf32, #tpu.memory_space<hbm>> -> memref<256x128xf32, #tpu.memory_space<hbm>>
      %dma_start3A_221 = arith.constant 0 : i32
      %dma_start3A_222 = tpu.memref_slice %arg4[%add3A_30, %dma_start3A_221] : memref<16384x128xf32, #tpu.memory_space<hbm>> -> memref<256x128xf32, #tpu.memory_space<hbm>>
      tpu.enqueue_dma source(%arg27 : memref<256x128xf32, #tpu.memory_space<vmem>>) target(%dma_start3A_222 : memref<256x128xf32, #tpu.memory_space<hbm>>) target_semaphore(%run_scoped3A_218 : memref<!tpu.dma_semaphore, #tpu.memory_space<semaphore_mem>>)
      %dma_wait3A_223 = arith.constant 0 : i32
      %dma_wait3A_224 = tpu.memref_slice %arg4[%add3A_30, %dma_wait3A_223] : memref<16384x128xf32, #tpu.memory_space<hbm>> -> memref<256x128xf32, #tpu.memory_space<hbm>>
      %dma_wait3A_225 = arith.constant 0 : i32
      %dma_wait3A_226 = tpu.memref_slice %arg4[%add3A_30, %dma_wait3A_225] : memref<16384x128xf32, #tpu.memory_space<hbm>> -> memref<256x128xf32, #tpu.memory_space<hbm>>
      tpu.wait_dma2 semaphore(%run_scoped3A_218 : memref<!tpu.dma_semaphore, #tpu.memory_space<semaphore_mem>>) src(%arg27 : memref<256x128xf32, #tpu.memory_space<vmem>>) dst(%dma_wait3A_226 : memref<256x128xf32, #tpu.memory_space<hbm>>)
      tpu.yield
    }) : () -> ()
    %dma_start3A_31 = arith.constant 0 : i32
    %dma_start3A_32 = arith.constant 0 : i32
    %dma_start3A_33 = tpu.memref_slice %arg2[%dma_start3A_31, %dma_start3A_32] : memref<1000000x128xf32, #tpu.memory_space<hbm>> -> memref<1000000x128xf32, #tpu.memory_space<hbm>>
    tpu.enqueue_indirect_dma source(%dma_start3A_33 : memref<1000000x128xf32, #tpu.memory_space<hbm>>) target(%arg27 : memref<256x128xf32, #tpu.memory_space<vmem>>) offsets(%arg9 : memref<256xi32, #tpu.memory_space<vmem>>) semaphore(%arg29 : memref<!tpu.dma_semaphore, #tpu.memory_space<semaphore_mem>>)
    %dma_wait3A_34 = arith.constant 0 : i32
    %dma_wait3A_35 = arith.constant 0 : i32
    %dma_wait3A_36 = tpu.memref_slice %arg2[%dma_wait3A_34, %dma_wait3A_35] : memref<1000000x128xf32, #tpu.memory_space<hbm>> -> memref<1000000x128xf32, #tpu.memory_space<hbm>>
    tpu.wait_indirect_dma semaphore(%arg30 : memref<!tpu.dma_semaphore, #tpu.memory_space<semaphore_mem>>) src(%dma_wait3A_36 : memref<1000000x128xf32, #tpu.memory_space<hbm>>) dst(%arg28 : memref<256x128xf32, #tpu.memory_space<vmem>>)
    %mul3A_37 = arith.constant 512 : i32
    %mul3A_38 = arith.muli %add3A, %mul3A_37 : i32
    %add3A_39 = arith.constant 256 : i32
    %add3A_40 = arith.addi %mul3A_38, %add3A_39 : i32
    "tpu.region"() ({
      %run_scoped3A_218 = tpu.sem_alloc : memref<!tpu.dma_semaphore, #tpu.memory_space<semaphore_mem>>
      %dma_start3A_219 = arith.constant 0 : i32
      %dma_start3A_220 = tpu.memref_slice %arg4[%add3A_40, %dma_start3A_219] : memref<16384x128xf32, #tpu.memory_space<hbm>> -> memref<256x128xf32, #tpu.memory_space<hbm>>
      %dma_start3A_221 = arith.constant 0 : i32
      %dma_start3A_222 = tpu.memref_slice %arg4[%add3A_40, %dma_start3A_221] : memref<16384x128xf32, #tpu.memory_space<hbm>> -> memref<256x128xf32, #tpu.memory_space<hbm>>
      tpu.enqueue_dma source(%arg28 : memref<256x128xf32, #tpu.memory_space<vmem>>) target(%dma_start3A_222 : memref<256x128xf32, #tpu.memory_space<hbm>>) target_semaphore(%run_scoped3A_218 : memref<!tpu.dma_semaphore, #tpu.memory_space<semaphore_mem>>)
      %dma_wait3A_223 = arith.constant 0 : i32
      %dma_wait3A_224 = tpu.memref_slice %arg4[%add3A_40, %dma_wait3A_223] : memref<16384x128xf32, #tpu.memory_space<hbm>> -> memref<256x128xf32, #tpu.memory_space<hbm>>
      %dma_wait3A_225 = arith.constant 0 : i32
      %dma_wait3A_226 = tpu.memref_slice %arg4[%add3A_40, %dma_wait3A_225] : memref<16384x128xf32, #tpu.memory_space<hbm>> -> memref<256x128xf32, #tpu.memory_space<hbm>>
      tpu.wait_dma2 semaphore(%run_scoped3A_218 : memref<!tpu.dma_semaphore, #tpu.memory_space<semaphore_mem>>) src(%arg28 : memref<256x128xf32, #tpu.memory_space<vmem>>) dst(%dma_wait3A_226 : memref<256x128xf32, #tpu.memory_space<hbm>>)
      tpu.yield
    }) : () -> ()
    %dma_start3A_41 = arith.constant 0 : i32
    %dma_start3A_42 = arith.constant 0 : i32
    %dma_start3A_43 = tpu.memref_slice %arg2[%dma_start3A_41, %dma_start3A_42] : memref<1000000x128xf32, #tpu.memory_space<hbm>> -> memref<1000000x128xf32, #tpu.memory_space<hbm>>
    tpu.enqueue_indirect_dma source(%dma_start3A_43 : memref<1000000x128xf32, #tpu.memory_space<hbm>>) target(%arg28 : memref<256x128xf32, #tpu.memory_space<vmem>>) offsets(%arg10 : memref<256xi32, #tpu.memory_space<vmem>>) semaphore(%arg30 : memref<!tpu.dma_semaphore, #tpu.memory_space<semaphore_mem>>)
    %dma_wait3A_44 = arith.constant 0 : i32
    %dma_wait3A_45 = arith.constant 0 : i32
    %dma_wait3A_46 = tpu.memref_slice %arg2[%dma_wait3A_44, %dma_wait3A_45] : memref<1000000x128xf32, #tpu.memory_space<hbm>> -> memref<1000000x128xf32, #tpu.memory_space<hbm>>
    tpu.wait_indirect_dma semaphore(%arg29 : memref<!tpu.dma_semaphore, #tpu.memory_space<semaphore_mem>>) src(%dma_wait3A_46 : memref<1000000x128xf32, #tpu.memory_space<hbm>>) dst(%arg27 : memref<256x128xf32, #tpu.memory_space<vmem>>)
    %mul3A_47 = arith.constant 512 : i32
    %mul3A_48 = arith.muli %add3A, %mul3A_47 : i32
    %add3A_49 = arith.constant 0 : i32
    %add3A_50 = arith.addi %mul3A_48, %add3A_49 : i32
    "tpu.region"() ({
      %run_scoped3A_218 = tpu.sem_alloc : memref<!tpu.dma_semaphore, #tpu.memory_space<semaphore_mem>>
      %dma_start3A_219 = arith.constant 0 : i32
      %dma_start3A_220 = tpu.memref_slice %arg5[%add3A_50, %dma_start3A_219] : memref<16384x128xf32, #tpu.memory_space<hbm>> -> memref<256x128xf32, #tpu.memory_space<hbm>>
      %dma_start3A_221 = arith.constant 0 : i32
      %dma_start3A_222 = tpu.memref_slice %arg5[%add3A_50, %dma_start3A_221] : memref<16384x128xf32, #tpu.memory_space<hbm>> -> memref<256x128xf32, #tpu.memory_space<hbm>>
      tpu.enqueue_dma source(%arg27 : memref<256x128xf32, #tpu.memory_space<vmem>>) target(%dma_start3A_222 : memref<256x128xf32, #tpu.memory_space<hbm>>) target_semaphore(%run_scoped3A_218 : memref<!tpu.dma_semaphore, #tpu.memory_space<semaphore_mem>>)
      %dma_wait3A_223 = arith.constant 0 : i32
      %dma_wait3A_224 = tpu.memref_slice %arg5[%add3A_50, %dma_wait3A_223] : memref<16384x128xf32, #tpu.memory_space<hbm>> -> memref<256x128xf32, #tpu.memory_space<hbm>>
      %dma_wait3A_225 = arith.constant 0 : i32
      %dma_wait3A_226 = tpu.memref_slice %arg5[%add3A_50, %dma_wait3A_225] : memref<16384x128xf32, #tpu.memory_space<hbm>> -> memref<256x128xf32, #tpu.memory_space<hbm>>
      tpu.wait_dma2 semaphore(%run_scoped3A_218 : memref<!tpu.dma_semaphore, #tpu.memory_space<semaphore_mem>>) src(%arg27 : memref<256x128xf32, #tpu.memory_space<vmem>>) dst(%dma_wait3A_226 : memref<256x128xf32, #tpu.memory_space<hbm>>)
      tpu.yield
    }) : () -> ()
    %dma_start3A_51 = arith.constant 0 : i32
    %dma_start3A_52 = arith.constant 0 : i32
    %dma_start3A_53 = tpu.memref_slice %arg2[%dma_start3A_51, %dma_start3A_52] : memref<1000000x128xf32, #tpu.memory_space<hbm>> -> memref<1000000x128xf32, #tpu.memory_space<hbm>>
    tpu.enqueue_indirect_dma source(%dma_start3A_53 : memref<1000000x128xf32, #tpu.memory_space<hbm>>) target(%arg27 : memref<256x128xf32, #tpu.memory_space<vmem>>) offsets(%arg11 : memref<256xi32, #tpu.memory_space<vmem>>) semaphore(%arg29 : memref<!tpu.dma_semaphore, #tpu.memory_space<semaphore_mem>>)
    %dma_wait3A_54 = arith.constant 0 : i32
    %dma_wait3A_55 = arith.constant 0 : i32
    %dma_wait3A_56 = tpu.memref_slice %arg2[%dma_wait3A_54, %dma_wait3A_55] : memref<1000000x128xf32, #tpu.memory_space<hbm>> -> memref<1000000x128xf32, #tpu.memory_space<hbm>>
    tpu.wait_indirect_dma semaphore(%arg30 : memref<!tpu.dma_semaphore, #tpu.memory_space<semaphore_mem>>) src(%dma_wait3A_56 : memref<1000000x128xf32, #tpu.memory_space<hbm>>) dst(%arg28 : memref<256x128xf32, #tpu.memory_space<vmem>>)
    %mul3A_57 = arith.constant 512 : i32
    %mul3A_58 = arith.muli %add3A, %mul3A_57 : i32
    %add3A_59 = arith.constant 256 : i32
    %add3A_60 = arith.addi %mul3A_58, %add3A_59 : i32
    "tpu.region"() ({
      %run_scoped3A_218 = tpu.sem_alloc : memref<!tpu.dma_semaphore, #tpu.memory_space<semaphore_mem>>
      %dma_start3A_219 = arith.constant 0 : i32
      %dma_start3A_220 = tpu.memref_slice %arg5[%add3A_60, %dma_start3A_219] : memref<16384x128xf32, #tpu.memory_space<hbm>> -> memref<256x128xf32, #tpu.memory_space<hbm>>
      %dma_start3A_221 = arith.constant 0 : i32
      %dma_start3A_222 = tpu.memref_slice %arg5[%add3A_60, %dma_start3A_221] : memref<16384x128xf32, #tpu.memory_space<hbm>> -> memref<256x128xf32, #tpu.memory_space<hbm>>
      tpu.enqueue_dma source(%arg28 : memref<256x128xf32, #tpu.memory_space<vmem>>) target(%dma_start3A_222 : memref<256x128xf32, #tpu.memory_space<hbm>>) target_semaphore(%run_scoped3A_218 : memref<!tpu.dma_semaphore, #tpu.memory_space<semaphore_mem>>)
      %dma_wait3A_223 = arith.constant 0 : i32
      %dma_wait3A_224 = tpu.memref_slice %arg5[%add3A_60, %dma_wait3A_223] : memref<16384x128xf32, #tpu.memory_space<hbm>> -> memref<256x128xf32, #tpu.memory_space<hbm>>
      %dma_wait3A_225 = arith.constant 0 : i32
      %dma_wait3A_226 = tpu.memref_slice %arg5[%add3A_60, %dma_wait3A_225] : memref<16384x128xf32, #tpu.memory_space<hbm>> -> memref<256x128xf32, #tpu.memory_space<hbm>>
      tpu.wait_dma2 semaphore(%run_scoped3A_218 : memref<!tpu.dma_semaphore, #tpu.memory_space<semaphore_mem>>) src(%arg28 : memref<256x128xf32, #tpu.memory_space<vmem>>) dst(%dma_wait3A_226 : memref<256x128xf32, #tpu.memory_space<hbm>>)
      tpu.yield
    }) : () -> ()
    %dma_start3A_61 = arith.constant 0 : i32
    %dma_start3A_62 = arith.constant 0 : i32
    %dma_start3A_63 = tpu.memref_slice %arg2[%dma_start3A_61, %dma_start3A_62] : memref<1000000x128xf32, #tpu.memory_space<hbm>> -> memref<1000000x128xf32, #tpu.memory_space<hbm>>
    tpu.enqueue_indirect_dma source(%dma_start3A_63 : memref<1000000x128xf32, #tpu.memory_space<hbm>>) target(%arg28 : memref<256x128xf32, #tpu.memory_space<vmem>>) offsets(%arg12 : memref<256xi32, #tpu.memory_space<vmem>>) semaphore(%arg30 : memref<!tpu.dma_semaphore, #tpu.memory_space<semaphore_mem>>)
    %dma_wait3A_64 = arith.constant 0 : i32
    %dma_wait3A_65 = arith.constant 0 : i32
    %dma_wait3A_66 = tpu.memref_slice %arg2[%dma_wait3A_64, %dma_wait3A_65] : memref<1000000x128xf32, #tpu.memory_space<hbm>> -> memref<1000000x128xf32, #tpu.memory_space<hbm>>
    tpu.wait_indirect_dma semaphore(%arg29 : memref<!tpu.dma_semaphore, #tpu.memory_space<semaphore_mem>>) src(%dma_wait3A_66 : memref<1000000x128xf32, #tpu.memory_space<hbm>>) dst(%arg27 : memref<256x128xf32, #tpu.memory_space<vmem>>)
    %mul3A_67 = arith.constant 4096 : i32
    %mul3A_68 = arith.muli %add3A, %mul3A_67 : i32
    %add3A_69 = arith.constant 0 : i32
    %add3A_70 = arith.addi %mul3A_68, %add3A_69 : i32
    "tpu.region"() ({
      %run_scoped3A_218 = tpu.sem_alloc : memref<!tpu.dma_semaphore, #tpu.memory_space<semaphore_mem>>
      %dma_start3A_219 = arith.constant 0 : i32
      %dma_start3A_220 = tpu.memref_slice %arg6[%add3A_70, %dma_start3A_219] : memref<131072x128xf32, #tpu.memory_space<hbm>> -> memref<256x128xf32, #tpu.memory_space<hbm>>
      %dma_start3A_221 = arith.constant 0 : i32
      %dma_start3A_222 = tpu.memref_slice %arg6[%add3A_70, %dma_start3A_221] : memref<131072x128xf32, #tpu.memory_space<hbm>> -> memref<256x128xf32, #tpu.memory_space<hbm>>
      tpu.enqueue_dma source(%arg27 : memref<256x128xf32, #tpu.memory_space<vmem>>) target(%dma_start3A_222 : memref<256x128xf32, #tpu.memory_space<hbm>>) target_semaphore(%run_scoped3A_218 : memref<!tpu.dma_semaphore, #tpu.memory_space<semaphore_mem>>)
      %dma_wait3A_223 = arith.constant 0 : i32
      %dma_wait3A_224 = tpu.memref_slice %arg6[%add3A_70, %dma_wait3A_223] : memref<131072x128xf32, #tpu.memory_space<hbm>> -> memref<256x128xf32, #tpu.memory_space<hbm>>
      %dma_wait3A_225 = arith.constant 0 : i32
      %dma_wait3A_226 = tpu.memref_slice %arg6[%add3A_70, %dma_wait3A_225] : memref<131072x128xf32, #tpu.memory_space<hbm>> -> memref<256x128xf32, #tpu.memory_space<hbm>>
      tpu.wait_dma2 semaphore(%run_scoped3A_218 : memref<!tpu.dma_semaphore, #tpu.memory_space<semaphore_mem>>) src(%arg27 : memref<256x128xf32, #tpu.memory_space<vmem>>) dst(%dma_wait3A_226 : memref<256x128xf32, #tpu.memory_space<hbm>>)
      tpu.yield
    }) : () -> ()
    %dma_start3A_71 = arith.constant 0 : i32
    %dma_start3A_72 = arith.constant 0 : i32
    %dma_start3A_73 = tpu.memref_slice %arg2[%dma_start3A_71, %dma_start3A_72] : memref<1000000x128xf32, #tpu.memory_space<hbm>> -> memref<1000000x128xf32, #tpu.memory_space<hbm>>
    tpu.enqueue_indirect_dma source(%dma_start3A_73 : memref<1000000x128xf32, #tpu.memory_space<hbm>>) target(%arg27 : memref<256x128xf32, #tpu.memory_space<vmem>>) offsets(%arg13 : memref<256xi32, #tpu.memory_space<vmem>>) semaphore(%arg29 : memref<!tpu.dma_semaphore, #tpu.memory_space<semaphore_mem>>)
    %dma_wait3A_74 = arith.constant 0 : i32
    %dma_wait3A_75 = arith.constant 0 : i32
    %dma_wait3A_76 = tpu.memref_slice %arg2[%dma_wait3A_74, %dma_wait3A_75] : memref<1000000x128xf32, #tpu.memory_space<hbm>> -> memref<1000000x128xf32, #tpu.memory_space<hbm>>
    tpu.wait_indirect_dma semaphore(%arg30 : memref<!tpu.dma_semaphore, #tpu.memory_space<semaphore_mem>>) src(%dma_wait3A_76 : memref<1000000x128xf32, #tpu.memory_space<hbm>>) dst(%arg28 : memref<256x128xf32, #tpu.memory_space<vmem>>)
    %mul3A_77 = arith.constant 4096 : i32
    %mul3A_78 = arith.muli %add3A, %mul3A_77 : i32
    %add3A_79 = arith.constant 256 : i32
    %add3A_80 = arith.addi %mul3A_78, %add3A_79 : i32
    "tpu.region"() ({
      %run_scoped3A_218 = tpu.sem_alloc : memref<!tpu.dma_semaphore, #tpu.memory_space<semaphore_mem>>
      %dma_start3A_219 = arith.constant 0 : i32
      %dma_start3A_220 = tpu.memref_slice %arg6[%add3A_80, %dma_start3A_219] : memref<131072x128xf32, #tpu.memory_space<hbm>> -> memref<256x128xf32, #tpu.memory_space<hbm>>
      %dma_start3A_221 = arith.constant 0 : i32
      %dma_start3A_222 = tpu.memref_slice %arg6[%add3A_80, %dma_start3A_221] : memref<131072x128xf32, #tpu.memory_space<hbm>> -> memref<256x128xf32, #tpu.memory_space<hbm>>
      tpu.enqueue_dma source(%arg28 : memref<256x128xf32, #tpu.memory_space<vmem>>) target(%dma_start3A_222 : memref<256x128xf32, #tpu.memory_space<hbm>>) target_semaphore(%run_scoped3A_218 : memref<!tpu.dma_semaphore, #tpu.memory_space<semaphore_mem>>)
      %dma_wait3A_223 = arith.constant 0 : i32
      %dma_wait3A_224 = tpu.memref_slice %arg6[%add3A_80, %dma_wait3A_223] : memref<131072x128xf32, #tpu.memory_space<hbm>> -> memref<256x128xf32, #tpu.memory_space<hbm>>
      %dma_wait3A_225 = arith.constant 0 : i32
      %dma_wait3A_226 = tpu.memref_slice %arg6[%add3A_80, %dma_wait3A_225] : memref<131072x128xf32, #tpu.memory_space<hbm>> -> memref<256x128xf32, #tpu.memory_space<hbm>>
      tpu.wait_dma2 semaphore(%run_scoped3A_218 : memref<!tpu.dma_semaphore, #tpu.memory_space<semaphore_mem>>) src(%arg28 : memref<256x128xf32, #tpu.memory_space<vmem>>) dst(%dma_wait3A_226 : memref<256x128xf32, #tpu.memory_space<hbm>>)
      tpu.yield
    }) : () -> ()
    %dma_start3A_81 = arith.constant 0 : i32
    %dma_start3A_82 = arith.constant 0 : i32
    %dma_start3A_83 = tpu.memref_slice %arg2[%dma_start3A_81, %dma_start3A_82] : memref<1000000x128xf32, #tpu.memory_space<hbm>> -> memref<1000000x128xf32, #tpu.memory_space<hbm>>
    tpu.enqueue_indirect_dma source(%dma_start3A_83 : memref<1000000x128xf32, #tpu.memory_space<hbm>>) target(%arg28 : memref<256x128xf32, #tpu.memory_space<vmem>>) offsets(%arg14 : memref<256xi32, #tpu.memory_space<vmem>>) semaphore(%arg30 : memref<!tpu.dma_semaphore, #tpu.memory_space<semaphore_mem>>)
    %dma_wait3A_84 = arith.constant 0 : i32
    %dma_wait3A_85 = arith.constant 0 : i32
    %dma_wait3A_86 = tpu.memref_slice %arg2[%dma_wait3A_84, %dma_wait3A_85] : memref<1000000x128xf32, #tpu.memory_space<hbm>> -> memref<1000000x128xf32, #tpu.memory_space<hbm>>
    tpu.wait_indirect_dma semaphore(%arg29 : memref<!tpu.dma_semaphore, #tpu.memory_space<semaphore_mem>>) src(%dma_wait3A_86 : memref<1000000x128xf32, #tpu.memory_space<hbm>>) dst(%arg27 : memref<256x128xf32, #tpu.memory_space<vmem>>)
    %mul3A_87 = arith.constant 4096 : i32
    %mul3A_88 = arith.muli %add3A, %mul3A_87 : i32
    %add3A_89 = arith.constant 512 : i32
    %add3A_90 = arith.addi %mul3A_88, %add3A_89 : i32
    "tpu.region"() ({
      %run_scoped3A_218 = tpu.sem_alloc : memref<!tpu.dma_semaphore, #tpu.memory_space<semaphore_mem>>
      %dma_start3A_219 = arith.constant 0 : i32
      %dma_start3A_220 = tpu.memref_slice %arg6[%add3A_90, %dma_start3A_219] : memref<131072x128xf32, #tpu.memory_space<hbm>> -> memref<256x128xf32, #tpu.memory_space<hbm>>
      %dma_start3A_221 = arith.constant 0 : i32
      %dma_start3A_222 = tpu.memref_slice %arg6[%add3A_90, %dma_start3A_221] : memref<131072x128xf32, #tpu.memory_space<hbm>> -> memref<256x128xf32, #tpu.memory_space<hbm>>
      tpu.enqueue_dma source(%arg27 : memref<256x128xf32, #tpu.memory_space<vmem>>) target(%dma_start3A_222 : memref<256x128xf32, #tpu.memory_space<hbm>>) target_semaphore(%run_scoped3A_218 : memref<!tpu.dma_semaphore, #tpu.memory_space<semaphore_mem>>)
      %dma_wait3A_223 = arith.constant 0 : i32
      %dma_wait3A_224 = tpu.memref_slice %arg6[%add3A_90, %dma_wait3A_223] : memref<131072x128xf32, #tpu.memory_space<hbm>> -> memref<256x128xf32, #tpu.memory_space<hbm>>
      %dma_wait3A_225 = arith.constant 0 : i32
      %dma_wait3A_226 = tpu.memref_slice %arg6[%add3A_90, %dma_wait3A_225] : memref<131072x128xf32, #tpu.memory_space<hbm>> -> memref<256x128xf32, #tpu.memory_space<hbm>>
      tpu.wait_dma2 semaphore(%run_scoped3A_218 : memref<!tpu.dma_semaphore, #tpu.memory_space<semaphore_mem>>) src(%arg27 : memref<256x128xf32, #tpu.memory_space<vmem>>) dst(%dma_wait3A_226 : memref<256x128xf32, #tpu.memory_space<hbm>>)
      tpu.yield
    }) : () -> ()
    %dma_start3A_91 = arith.constant 0 : i32
    %dma_start3A_92 = arith.constant 0 : i32
    %dma_start3A_93 = tpu.memref_slice %arg2[%dma_start3A_91, %dma_start3A_92] : memref<1000000x128xf32, #tpu.memory_space<hbm>> -> memref<1000000x128xf32, #tpu.memory_space<hbm>>
    tpu.enqueue_indirect_dma source(%dma_start3A_93 : memref<1000000x128xf32, #tpu.memory_space<hbm>>) target(%arg27 : memref<256x128xf32, #tpu.memory_space<vmem>>) offsets(%arg15 : memref<256xi32, #tpu.memory_space<vmem>>) semaphore(%arg29 : memref<!tpu.dma_semaphore, #tpu.memory_space<semaphore_mem>>)
    %dma_wait3A_94 = arith.constant 0 : i32
    %dma_wait3A_95 = arith.constant 0 : i32
    %dma_wait3A_96 = tpu.memref_slice %arg2[%dma_wait3A_94, %dma_wait3A_95] : memref<1000000x128xf32, #tpu.memory_space<hbm>> -> memref<1000000x128xf32, #tpu.memory_space<hbm>>
    tpu.wait_indirect_dma semaphore(%arg30 : memref<!tpu.dma_semaphore, #tpu.memory_space<semaphore_mem>>) src(%dma_wait3A_96 : memref<1000000x128xf32, #tpu.memory_space<hbm>>) dst(%arg28 : memref<256x128xf32, #tpu.memory_space<vmem>>)
    %mul3A_97 = arith.constant 4096 : i32
    %mul3A_98 = arith.muli %add3A, %mul3A_97 : i32
    %add3A_99 = arith.constant 768 : i32
    %add3A_100 = arith.addi %mul3A_98, %add3A_99 : i32
    "tpu.region"() ({
      %run_scoped3A_218 = tpu.sem_alloc : memref<!tpu.dma_semaphore, #tpu.memory_space<semaphore_mem>>
      %dma_start3A_219 = arith.constant 0 : i32
      %dma_start3A_220 = tpu.memref_slice %arg6[%add3A_100, %dma_start3A_219] : memref<131072x128xf32, #tpu.memory_space<hbm>> -> memref<256x128xf32, #tpu.memory_space<hbm>>
      %dma_start3A_221 = arith.constant 0 : i32
      %dma_start3A_222 = tpu.memref_slice %arg6[%add3A_100, %dma_start3A_221] : memref<131072x128xf32, #tpu.memory_space<hbm>> -> memref<256x128xf32, #tpu.memory_space<hbm>>
      tpu.enqueue_dma source(%arg28 : memref<256x128xf32, #tpu.memory_space<vmem>>) target(%dma_start3A_222 : memref<256x128xf32, #tpu.memory_space<hbm>>) target_semaphore(%run_scoped3A_218 : memref<!tpu.dma_semaphore, #tpu.memory_space<semaphore_mem>>)
      %dma_wait3A_223 = arith.constant 0 : i32
      %dma_wait3A_224 = tpu.memref_slice %arg6[%add3A_100, %dma_wait3A_223] : memref<131072x128xf32, #tpu.memory_space<hbm>> -> memref<256x128xf32, #tpu.memory_space<hbm>>
      %dma_wait3A_225 = arith.constant 0 : i32
      %dma_wait3A_226 = tpu.memref_slice %arg6[%add3A_100, %dma_wait3A_225] : memref<131072x128xf32, #tpu.memory_space<hbm>> -> memref<256x128xf32, #tpu.memory_space<hbm>>
      tpu.wait_dma2 semaphore(%run_scoped3A_218 : memref<!tpu.dma_semaphore, #tpu.memory_space<semaphore_mem>>) src(%arg28 : memref<256x128xf32, #tpu.memory_space<vmem>>) dst(%dma_wait3A_226 : memref<256x128xf32, #tpu.memory_space<hbm>>)
      tpu.yield
    }) : () -> ()
    %dma_start3A_101 = arith.constant 0 : i32
    %dma_start3A_102 = arith.constant 0 : i32
    %dma_start3A_103 = tpu.memref_slice %arg2[%dma_start3A_101, %dma_start3A_102] : memref<1000000x128xf32, #tpu.memory_space<hbm>> -> memref<1000000x128xf32, #tpu.memory_space<hbm>>
    tpu.enqueue_indirect_dma source(%dma_start3A_103 : memref<1000000x128xf32, #tpu.memory_space<hbm>>) target(%arg28 : memref<256x128xf32, #tpu.memory_space<vmem>>) offsets(%arg16 : memref<256xi32, #tpu.memory_space<vmem>>) semaphore(%arg30 : memref<!tpu.dma_semaphore, #tpu.memory_space<semaphore_mem>>)
    %dma_wait3A_104 = arith.constant 0 : i32
    %dma_wait3A_105 = arith.constant 0 : i32
    %dma_wait3A_106 = tpu.memref_slice %arg2[%dma_wait3A_104, %dma_wait3A_105] : memref<1000000x128xf32, #tpu.memory_space<hbm>> -> memref<1000000x128xf32, #tpu.memory_space<hbm>>
    tpu.wait_indirect_dma semaphore(%arg29 : memref<!tpu.dma_semaphore, #tpu.memory_space<semaphore_mem>>) src(%dma_wait3A_106 : memref<1000000x128xf32, #tpu.memory_space<hbm>>) dst(%arg27 : memref<256x128xf32, #tpu.memory_space<vmem>>)
    %mul3A_107 = arith.constant 4096 : i32
    %mul3A_108 = arith.muli %add3A, %mul3A_107 : i32
    %add3A_109 = arith.constant 1024 : i32
    %add3A_110 = arith.addi %mul3A_108, %add3A_109 : i32
    "tpu.region"() ({
      %run_scoped3A_218 = tpu.sem_alloc : memref<!tpu.dma_semaphore, #tpu.memory_space<semaphore_mem>>
      %dma_start3A_219 = arith.constant 0 : i32
      %dma_start3A_220 = tpu.memref_slice %arg6[%add3A_110, %dma_start3A_219] : memref<131072x128xf32, #tpu.memory_space<hbm>> -> memref<256x128xf32, #tpu.memory_space<hbm>>
      %dma_start3A_221 = arith.constant 0 : i32
      %dma_start3A_222 = tpu.memref_slice %arg6[%add3A_110, %dma_start3A_221] : memref<131072x128xf32, #tpu.memory_space<hbm>> -> memref<256x128xf32, #tpu.memory_space<hbm>>
      tpu.enqueue_dma source(%arg27 : memref<256x128xf32, #tpu.memory_space<vmem>>) target(%dma_start3A_222 : memref<256x128xf32, #tpu.memory_space<hbm>>) target_semaphore(%run_scoped3A_218 : memref<!tpu.dma_semaphore, #tpu.memory_space<semaphore_mem>>)
      %dma_wait3A_223 = arith.constant 0 : i32
      %dma_wait3A_224 = tpu.memref_slice %arg6[%add3A_110, %dma_wait3A_223] : memref<131072x128xf32, #tpu.memory_space<hbm>> -> memref<256x128xf32, #tpu.memory_space<hbm>>
      %dma_wait3A_225 = arith.constant 0 : i32
      %dma_wait3A_226 = tpu.memref_slice %arg6[%add3A_110, %dma_wait3A_225] : memref<131072x128xf32, #tpu.memory_space<hbm>> -> memref<256x128xf32, #tpu.memory_space<hbm>>
      tpu.wait_dma2 semaphore(%run_scoped3A_218 : memref<!tpu.dma_semaphore, #tpu.memory_space<semaphore_mem>>) src(%arg27 : memref<256x128xf32, #tpu.memory_space<vmem>>) dst(%dma_wait3A_226 : memref<256x128xf32, #tpu.memory_space<hbm>>)
      tpu.yield
    }) : () -> ()
    %dma_start3A_111 = arith.constant 0 : i32
    %dma_start3A_112 = arith.constant 0 : i32
    %dma_start3A_113 = tpu.memref_slice %arg2[%dma_start3A_111, %dma_start3A_112] : memref<1000000x128xf32, #tpu.memory_space<hbm>> -> memref<1000000x128xf32, #tpu.memory_space<hbm>>
    tpu.enqueue_indirect_dma source(%dma_start3A_113 : memref<1000000x128xf32, #tpu.memory_space<hbm>>) target(%arg27 : memref<256x128xf32, #tpu.memory_space<vmem>>) offsets(%arg17 : memref<256xi32, #tpu.memory_space<vmem>>) semaphore(%arg29 : memref<!tpu.dma_semaphore, #tpu.memory_space<semaphore_mem>>)
    %dma_wait3A_114 = arith.constant 0 : i32
    %dma_wait3A_115 = arith.constant 0 : i32
    %dma_wait3A_116 = tpu.memref_slice %arg2[%dma_wait3A_114, %dma_wait3A_115] : memref<1000000x128xf32, #tpu.memory_space<hbm>> -> memref<1000000x128xf32, #tpu.memory_space<hbm>>
    tpu.wait_indirect_dma semaphore(%arg30 : memref<!tpu.dma_semaphore, #tpu.memory_space<semaphore_mem>>) src(%dma_wait3A_116 : memref<1000000x128xf32, #tpu.memory_space<hbm>>) dst(%arg28 : memref<256x128xf32, #tpu.memory_space<vmem>>)
    %mul3A_117 = arith.constant 4096 : i32
    %mul3A_118 = arith.muli %add3A, %mul3A_117 : i32
    %add3A_119 = arith.constant 1280 : i32
    %add3A_120 = arith.addi %mul3A_118, %add3A_119 : i32
    "tpu.region"() ({
      %run_scoped3A_218 = tpu.sem_alloc : memref<!tpu.dma_semaphore, #tpu.memory_space<semaphore_mem>>
      %dma_start3A_219 = arith.constant 0 : i32
      %dma_start3A_220 = tpu.memref_slice %arg6[%add3A_120, %dma_start3A_219] : memref<131072x128xf32, #tpu.memory_space<hbm>> -> memref<256x128xf32, #tpu.memory_space<hbm>>
      %dma_start3A_221 = arith.constant 0 : i32
      %dma_start3A_222 = tpu.memref_slice %arg6[%add3A_120, %dma_start3A_221] : memref<131072x128xf32, #tpu.memory_space<hbm>> -> memref<256x128xf32, #tpu.memory_space<hbm>>
      tpu.enqueue_dma source(%arg28 : memref<256x128xf32, #tpu.memory_space<vmem>>) target(%dma_start3A_222 : memref<256x128xf32, #tpu.memory_space<hbm>>) target_semaphore(%run_scoped3A_218 : memref<!tpu.dma_semaphore, #tpu.memory_space<semaphore_mem>>)
      %dma_wait3A_223 = arith.constant 0 : i32
      %dma_wait3A_224 = tpu.memref_slice %arg6[%add3A_120, %dma_wait3A_223] : memref<131072x128xf32, #tpu.memory_space<hbm>> -> memref<256x128xf32, #tpu.memory_space<hbm>>
      %dma_wait3A_225 = arith.constant 0 : i32
      %dma_wait3A_226 = tpu.memref_slice %arg6[%add3A_120, %dma_wait3A_225] : memref<131072x128xf32, #tpu.memory_space<hbm>> -> memref<256x128xf32, #tpu.memory_space<hbm>>
      tpu.wait_dma2 semaphore(%run_scoped3A_218 : memref<!tpu.dma_semaphore, #tpu.memory_space<semaphore_mem>>) src(%arg28 : memref<256x128xf32, #tpu.memory_space<vmem>>) dst(%dma_wait3A_226 : memref<256x128xf32, #tpu.memory_space<hbm>>)
      tpu.yield
    }) : () -> ()
    %dma_start3A_121 = arith.constant 0 : i32
    %dma_start3A_122 = arith.constant 0 : i32
    %dma_start3A_123 = tpu.memref_slice %arg2[%dma_start3A_121, %dma_start3A_122] : memref<1000000x128xf32, #tpu.memory_space<hbm>> -> memref<1000000x128xf32, #tpu.memory_space<hbm>>
    tpu.enqueue_indirect_dma source(%dma_start3A_123 : memref<1000000x128xf32, #tpu.memory_space<hbm>>) target(%arg28 : memref<256x128xf32, #tpu.memory_space<vmem>>) offsets(%arg18 : memref<256xi32, #tpu.memory_space<vmem>>) semaphore(%arg30 : memref<!tpu.dma_semaphore, #tpu.memory_space<semaphore_mem>>)
    %dma_wait3A_124 = arith.constant 0 : i32
    %dma_wait3A_125 = arith.constant 0 : i32
    %dma_wait3A_126 = tpu.memref_slice %arg2[%dma_wait3A_124, %dma_wait3A_125] : memref<1000000x128xf32, #tpu.memory_space<hbm>> -> memref<1000000x128xf32, #tpu.memory_space<hbm>>
    tpu.wait_indirect_dma semaphore(%arg29 : memref<!tpu.dma_semaphore, #tpu.memory_space<semaphore_mem>>) src(%dma_wait3A_126 : memref<1000000x128xf32, #tpu.memory_space<hbm>>) dst(%arg27 : memref<256x128xf32, #tpu.memory_space<vmem>>)
    %mul3A_127 = arith.constant 4096 : i32
    %mul3A_128 = arith.muli %add3A, %mul3A_127 : i32
    %add3A_129 = arith.constant 1536 : i32
    %add3A_130 = arith.addi %mul3A_128, %add3A_129 : i32
    "tpu.region"() ({
      %run_scoped3A_218 = tpu.sem_alloc : memref<!tpu.dma_semaphore, #tpu.memory_space<semaphore_mem>>
      %dma_start3A_219 = arith.constant 0 : i32
      %dma_start3A_220 = tpu.memref_slice %arg6[%add3A_130, %dma_start3A_219] : memref<131072x128xf32, #tpu.memory_space<hbm>> -> memref<256x128xf32, #tpu.memory_space<hbm>>
      %dma_start3A_221 = arith.constant 0 : i32
      %dma_start3A_222 = tpu.memref_slice %arg6[%add3A_130, %dma_start3A_221] : memref<131072x128xf32, #tpu.memory_space<hbm>> -> memref<256x128xf32, #tpu.memory_space<hbm>>
      tpu.enqueue_dma source(%arg27 : memref<256x128xf32, #tpu.memory_space<vmem>>) target(%dma_start3A_222 : memref<256x128xf32, #tpu.memory_space<hbm>>) target_semaphore(%run_scoped3A_218 : memref<!tpu.dma_semaphore, #tpu.memory_space<semaphore_mem>>)
      %dma_wait3A_223 = arith.constant 0 : i32
      %dma_wait3A_224 = tpu.memref_slice %arg6[%add3A_130, %dma_wait3A_223] : memref<131072x128xf32, #tpu.memory_space<hbm>> -> memref<256x128xf32, #tpu.memory_space<hbm>>
      %dma_wait3A_225 = arith.constant 0 : i32
      %dma_wait3A_226 = tpu.memref_slice %arg6[%add3A_130, %dma_wait3A_225] : memref<131072x128xf32, #tpu.memory_space<hbm>> -> memref<256x128xf32, #tpu.memory_space<hbm>>
      tpu.wait_dma2 semaphore(%run_scoped3A_218 : memref<!tpu.dma_semaphore, #tpu.memory_space<semaphore_mem>>) src(%arg27 : memref<256x128xf32, #tpu.memory_space<vmem>>) dst(%dma_wait3A_226 : memref<256x128xf32, #tpu.memory_space<hbm>>)
      tpu.yield
    }) : () -> ()
    %dma_start3A_131 = arith.constant 0 : i32
    %dma_start3A_132 = arith.constant 0 : i32
    %dma_start3A_133 = tpu.memref_slice %arg2[%dma_start3A_131, %dma_start3A_132] : memref<1000000x128xf32, #tpu.memory_space<hbm>> -> memref<1000000x128xf32, #tpu.memory_space<hbm>>
    tpu.enqueue_indirect_dma source(%dma_start3A_133 : memref<1000000x128xf32, #tpu.memory_space<hbm>>) target(%arg27 : memref<256x128xf32, #tpu.memory_space<vmem>>) offsets(%arg19 : memref<256xi32, #tpu.memory_space<vmem>>) semaphore(%arg29 : memref<!tpu.dma_semaphore, #tpu.memory_space<semaphore_mem>>)
    %dma_wait3A_134 = arith.constant 0 : i32
    %dma_wait3A_135 = arith.constant 0 : i32
    %dma_wait3A_136 = tpu.memref_slice %arg2[%dma_wait3A_134, %dma_wait3A_135] : memref<1000000x128xf32, #tpu.memory_space<hbm>> -> memref<1000000x128xf32, #tpu.memory_space<hbm>>
    tpu.wait_indirect_dma semaphore(%arg30 : memref<!tpu.dma_semaphore, #tpu.memory_space<semaphore_mem>>) src(%dma_wait3A_136 : memref<1000000x128xf32, #tpu.memory_space<hbm>>) dst(%arg28 : memref<256x128xf32, #tpu.memory_space<vmem>>)
    %mul3A_137 = arith.constant 4096 : i32
    %mul3A_138 = arith.muli %add3A, %mul3A_137 : i32
    %add3A_139 = arith.constant 1792 : i32
    %add3A_140 = arith.addi %mul3A_138, %add3A_139 : i32
    "tpu.region"() ({
      %run_scoped3A_218 = tpu.sem_alloc : memref<!tpu.dma_semaphore, #tpu.memory_space<semaphore_mem>>
      %dma_start3A_219 = arith.constant 0 : i32
      %dma_start3A_220 = tpu.memref_slice %arg6[%add3A_140, %dma_start3A_219] : memref<131072x128xf32, #tpu.memory_space<hbm>> -> memref<256x128xf32, #tpu.memory_space<hbm>>
      %dma_start3A_221 = arith.constant 0 : i32
      %dma_start3A_222 = tpu.memref_slice %arg6[%add3A_140, %dma_start3A_221] : memref<131072x128xf32, #tpu.memory_space<hbm>> -> memref<256x128xf32, #tpu.memory_space<hbm>>
      tpu.enqueue_dma source(%arg28 : memref<256x128xf32, #tpu.memory_space<vmem>>) target(%dma_start3A_222 : memref<256x128xf32, #tpu.memory_space<hbm>>) target_semaphore(%run_scoped3A_218 : memref<!tpu.dma_semaphore, #tpu.memory_space<semaphore_mem>>)
      %dma_wait3A_223 = arith.constant 0 : i32
      %dma_wait3A_224 = tpu.memref_slice %arg6[%add3A_140, %dma_wait3A_223] : memref<131072x128xf32, #tpu.memory_space<hbm>> -> memref<256x128xf32, #tpu.memory_space<hbm>>
      %dma_wait3A_225 = arith.constant 0 : i32
      %dma_wait3A_226 = tpu.memref_slice %arg6[%add3A_140, %dma_wait3A_225] : memref<131072x128xf32, #tpu.memory_space<hbm>> -> memref<256x128xf32, #tpu.memory_space<hbm>>
      tpu.wait_dma2 semaphore(%run_scoped3A_218 : memref<!tpu.dma_semaphore, #tpu.memory_space<semaphore_mem>>) src(%arg28 : memref<256x128xf32, #tpu.memory_space<vmem>>) dst(%dma_wait3A_226 : memref<256x128xf32, #tpu.memory_space<hbm>>)
      tpu.yield
    }) : () -> ()
    %dma_start3A_141 = arith.constant 0 : i32
    %dma_start3A_142 = arith.constant 0 : i32
    %dma_start3A_143 = tpu.memref_slice %arg2[%dma_start3A_141, %dma_start3A_142] : memref<1000000x128xf32, #tpu.memory_space<hbm>> -> memref<1000000x128xf32, #tpu.memory_space<hbm>>
    tpu.enqueue_indirect_dma source(%dma_start3A_143 : memref<1000000x128xf32, #tpu.memory_space<hbm>>) target(%arg28 : memref<256x128xf32, #tpu.memory_space<vmem>>) offsets(%arg20 : memref<256xi32, #tpu.memory_space<vmem>>) semaphore(%arg30 : memref<!tpu.dma_semaphore, #tpu.memory_space<semaphore_mem>>)
    %dma_wait3A_144 = arith.constant 0 : i32
    %dma_wait3A_145 = arith.constant 0 : i32
    %dma_wait3A_146 = tpu.memref_slice %arg2[%dma_wait3A_144, %dma_wait3A_145] : memref<1000000x128xf32, #tpu.memory_space<hbm>> -> memref<1000000x128xf32, #tpu.memory_space<hbm>>
    tpu.wait_indirect_dma semaphore(%arg29 : memref<!tpu.dma_semaphore, #tpu.memory_space<semaphore_mem>>) src(%dma_wait3A_146 : memref<1000000x128xf32, #tpu.memory_space<hbm>>) dst(%arg27 : memref<256x128xf32, #tpu.memory_space<vmem>>)
    %mul3A_147 = arith.constant 4096 : i32
    %mul3A_148 = arith.muli %add3A, %mul3A_147 : i32
    %add3A_149 = arith.constant 2048 : i32
    %add3A_150 = arith.addi %mul3A_148, %add3A_149 : i32
    "tpu.region"() ({
      %run_scoped3A_218 = tpu.sem_alloc : memref<!tpu.dma_semaphore, #tpu.memory_space<semaphore_mem>>
      %dma_start3A_219 = arith.constant 0 : i32
      %dma_start3A_220 = tpu.memref_slice %arg6[%add3A_150, %dma_start3A_219] : memref<131072x128xf32, #tpu.memory_space<hbm>> -> memref<256x128xf32, #tpu.memory_space<hbm>>
      %dma_start3A_221 = arith.constant 0 : i32
      %dma_start3A_222 = tpu.memref_slice %arg6[%add3A_150, %dma_start3A_221] : memref<131072x128xf32, #tpu.memory_space<hbm>> -> memref<256x128xf32, #tpu.memory_space<hbm>>
      tpu.enqueue_dma source(%arg27 : memref<256x128xf32, #tpu.memory_space<vmem>>) target(%dma_start3A_222 : memref<256x128xf32, #tpu.memory_space<hbm>>) target_semaphore(%run_scoped3A_218 : memref<!tpu.dma_semaphore, #tpu.memory_space<semaphore_mem>>)
      %dma_wait3A_223 = arith.constant 0 : i32
      %dma_wait3A_224 = tpu.memref_slice %arg6[%add3A_150, %dma_wait3A_223] : memref<131072x128xf32, #tpu.memory_space<hbm>> -> memref<256x128xf32, #tpu.memory_space<hbm>>
      %dma_wait3A_225 = arith.constant 0 : i32
      %dma_wait3A_226 = tpu.memref_slice %arg6[%add3A_150, %dma_wait3A_225] : memref<131072x128xf32, #tpu.memory_space<hbm>> -> memref<256x128xf32, #tpu.memory_space<hbm>>
      tpu.wait_dma2 semaphore(%run_scoped3A_218 : memref<!tpu.dma_semaphore, #tpu.memory_space<semaphore_mem>>) src(%arg27 : memref<256x128xf32, #tpu.memory_space<vmem>>) dst(%dma_wait3A_226 : memref<256x128xf32, #tpu.memory_space<hbm>>)
      tpu.yield
    }) : () -> ()
    %dma_start3A_151 = arith.constant 0 : i32
    %dma_start3A_152 = arith.constant 0 : i32
    %dma_start3A_153 = tpu.memref_slice %arg2[%dma_start3A_151, %dma_start3A_152] : memref<1000000x128xf32, #tpu.memory_space<hbm>> -> memref<1000000x128xf32, #tpu.memory_space<hbm>>
    tpu.enqueue_indirect_dma source(%dma_start3A_153 : memref<1000000x128xf32, #tpu.memory_space<hbm>>) target(%arg27 : memref<256x128xf32, #tpu.memory_space<vmem>>) offsets(%arg21 : memref<256xi32, #tpu.memory_space<vmem>>) semaphore(%arg29 : memref<!tpu.dma_semaphore, #tpu.memory_space<semaphore_mem>>)
    %dma_wait3A_154 = arith.constant 0 : i32
    %dma_wait3A_155 = arith.constant 0 : i32
    %dma_wait3A_156 = tpu.memref_slice %arg2[%dma_wait3A_154, %dma_wait3A_155] : memref<1000000x128xf32, #tpu.memory_space<hbm>> -> memref<1000000x128xf32, #tpu.memory_space<hbm>>
    tpu.wait_indirect_dma semaphore(%arg30 : memref<!tpu.dma_semaphore, #tpu.memory_space<semaphore_mem>>) src(%dma_wait3A_156 : memref<1000000x128xf32, #tpu.memory_space<hbm>>) dst(%arg28 : memref<256x128xf32, #tpu.memory_space<vmem>>)
    %mul3A_157 = arith.constant 4096 : i32
    %mul3A_158 = arith.muli %add3A, %mul3A_157 : i32
    %add3A_159 = arith.constant 2304 : i32
    %add3A_160 = arith.addi %mul3A_158, %add3A_159 : i32
    "tpu.region"() ({
      %run_scoped3A_218 = tpu.sem_alloc : memref<!tpu.dma_semaphore, #tpu.memory_space<semaphore_mem>>
      %dma_start3A_219 = arith.constant 0 : i32
      %dma_start3A_220 = tpu.memref_slice %arg6[%add3A_160, %dma_start3A_219] : memref<131072x128xf32, #tpu.memory_space<hbm>> -> memref<256x128xf32, #tpu.memory_space<hbm>>
      %dma_start3A_221 = arith.constant 0 : i32
      %dma_start3A_222 = tpu.memref_slice %arg6[%add3A_160, %dma_start3A_221] : memref<131072x128xf32, #tpu.memory_space<hbm>> -> memref<256x128xf32, #tpu.memory_space<hbm>>
      tpu.enqueue_dma source(%arg28 : memref<256x128xf32, #tpu.memory_space<vmem>>) target(%dma_start3A_222 : memref<256x128xf32, #tpu.memory_space<hbm>>) target_semaphore(%run_scoped3A_218 : memref<!tpu.dma_semaphore, #tpu.memory_space<semaphore_mem>>)
      %dma_wait3A_223 = arith.constant 0 : i32
      %dma_wait3A_224 = tpu.memref_slice %arg6[%add3A_160, %dma_wait3A_223] : memref<131072x128xf32, #tpu.memory_space<hbm>> -> memref<256x128xf32, #tpu.memory_space<hbm>>
      %dma_wait3A_225 = arith.constant 0 : i32
      %dma_wait3A_226 = tpu.memref_slice %arg6[%add3A_160, %dma_wait3A_225] : memref<131072x128xf32, #tpu.memory_space<hbm>> -> memref<256x128xf32, #tpu.memory_space<hbm>>
      tpu.wait_dma2 semaphore(%run_scoped3A_218 : memref<!tpu.dma_semaphore, #tpu.memory_space<semaphore_mem>>) src(%arg28 : memref<256x128xf32, #tpu.memory_space<vmem>>) dst(%dma_wait3A_226 : memref<256x128xf32, #tpu.memory_space<hbm>>)
      tpu.yield
    }) : () -> ()
    %dma_start3A_161 = arith.constant 0 : i32
    %dma_start3A_162 = arith.constant 0 : i32
    %dma_start3A_163 = tpu.memref_slice %arg2[%dma_start3A_161, %dma_start3A_162] : memref<1000000x128xf32, #tpu.memory_space<hbm>> -> memref<1000000x128xf32, #tpu.memory_space<hbm>>
    tpu.enqueue_indirect_dma source(%dma_start3A_163 : memref<1000000x128xf32, #tpu.memory_space<hbm>>) target(%arg28 : memref<256x128xf32, #tpu.memory_space<vmem>>) offsets(%arg22 : memref<256xi32, #tpu.memory_space<vmem>>) semaphore(%arg30 : memref<!tpu.dma_semaphore, #tpu.memory_space<semaphore_mem>>)
    %dma_wait3A_164 = arith.constant 0 : i32
    %dma_wait3A_165 = arith.constant 0 : i32
    %dma_wait3A_166 = tpu.memref_slice %arg2[%dma_wait3A_164, %dma_wait3A_165] : memref<1000000x128xf32, #tpu.memory_space<hbm>> -> memref<1000000x128xf32, #tpu.memory_space<hbm>>
    tpu.wait_indirect_dma semaphore(%arg29 : memref<!tpu.dma_semaphore, #tpu.memory_space<semaphore_mem>>) src(%dma_wait3A_166 : memref<1000000x128xf32, #tpu.memory_space<hbm>>) dst(%arg27 : memref<256x128xf32, #tpu.memory_space<vmem>>)
    %mul3A_167 = arith.constant 4096 : i32
    %mul3A_168 = arith.muli %add3A, %mul3A_167 : i32
    %add3A_169 = arith.constant 2560 : i32
    %add3A_170 = arith.addi %mul3A_168, %add3A_169 : i32
    "tpu.region"() ({
      %run_scoped3A_218 = tpu.sem_alloc : memref<!tpu.dma_semaphore, #tpu.memory_space<semaphore_mem>>
      %dma_start3A_219 = arith.constant 0 : i32
      %dma_start3A_220 = tpu.memref_slice %arg6[%add3A_170, %dma_start3A_219] : memref<131072x128xf32, #tpu.memory_space<hbm>> -> memref<256x128xf32, #tpu.memory_space<hbm>>
      %dma_start3A_221 = arith.constant 0 : i32
      %dma_start3A_222 = tpu.memref_slice %arg6[%add3A_170, %dma_start3A_221] : memref<131072x128xf32, #tpu.memory_space<hbm>> -> memref<256x128xf32, #tpu.memory_space<hbm>>
      tpu.enqueue_dma source(%arg27 : memref<256x128xf32, #tpu.memory_space<vmem>>) target(%dma_start3A_222 : memref<256x128xf32, #tpu.memory_space<hbm>>) target_semaphore(%run_scoped3A_218 : memref<!tpu.dma_semaphore, #tpu.memory_space<semaphore_mem>>)
      %dma_wait3A_223 = arith.constant 0 : i32
      %dma_wait3A_224 = tpu.memref_slice %arg6[%add3A_170, %dma_wait3A_223] : memref<131072x128xf32, #tpu.memory_space<hbm>> -> memref<256x128xf32, #tpu.memory_space<hbm>>
      %dma_wait3A_225 = arith.constant 0 : i32
      %dma_wait3A_226 = tpu.memref_slice %arg6[%add3A_170, %dma_wait3A_225] : memref<131072x128xf32, #tpu.memory_space<hbm>> -> memref<256x128xf32, #tpu.memory_space<hbm>>
      tpu.wait_dma2 semaphore(%run_scoped3A_218 : memref<!tpu.dma_semaphore, #tpu.memory_space<semaphore_mem>>) src(%arg27 : memref<256x128xf32, #tpu.memory_space<vmem>>) dst(%dma_wait3A_226 : memref<256x128xf32, #tpu.memory_space<hbm>>)
      tpu.yield
    }) : () -> ()
    %dma_start3A_171 = arith.constant 0 : i32
    %dma_start3A_172 = arith.constant 0 : i32
    %dma_start3A_173 = tpu.memref_slice %arg2[%dma_start3A_171, %dma_start3A_172] : memref<1000000x128xf32, #tpu.memory_space<hbm>> -> memref<1000000x128xf32, #tpu.memory_space<hbm>>
    tpu.enqueue_indirect_dma source(%dma_start3A_173 : memref<1000000x128xf32, #tpu.memory_space<hbm>>) target(%arg27 : memref<256x128xf32, #tpu.memory_space<vmem>>) offsets(%arg23 : memref<256xi32, #tpu.memory_space<vmem>>) semaphore(%arg29 : memref<!tpu.dma_semaphore, #tpu.memory_space<semaphore_mem>>)
    %dma_wait3A_174 = arith.constant 0 : i32
    %dma_wait3A_175 = arith.constant 0 : i32
    %dma_wait3A_176 = tpu.memref_slice %arg2[%dma_wait3A_174, %dma_wait3A_175] : memref<1000000x128xf32, #tpu.memory_space<hbm>> -> memref<1000000x128xf32, #tpu.memory_space<hbm>>
    tpu.wait_indirect_dma semaphore(%arg30 : memref<!tpu.dma_semaphore, #tpu.memory_space<semaphore_mem>>) src(%dma_wait3A_176 : memref<1000000x128xf32, #tpu.memory_space<hbm>>) dst(%arg28 : memref<256x128xf32, #tpu.memory_space<vmem>>)
    %mul3A_177 = arith.constant 4096 : i32
    %mul3A_178 = arith.muli %add3A, %mul3A_177 : i32
    %add3A_179 = arith.constant 2816 : i32
    %add3A_180 = arith.addi %mul3A_178, %add3A_179 : i32
    "tpu.region"() ({
      %run_scoped3A_218 = tpu.sem_alloc : memref<!tpu.dma_semaphore, #tpu.memory_space<semaphore_mem>>
      %dma_start3A_219 = arith.constant 0 : i32
      %dma_start3A_220 = tpu.memref_slice %arg6[%add3A_180, %dma_start3A_219] : memref<131072x128xf32, #tpu.memory_space<hbm>> -> memref<256x128xf32, #tpu.memory_space<hbm>>
      %dma_start3A_221 = arith.constant 0 : i32
      %dma_start3A_222 = tpu.memref_slice %arg6[%add3A_180, %dma_start3A_221] : memref<131072x128xf32, #tpu.memory_space<hbm>> -> memref<256x128xf32, #tpu.memory_space<hbm>>
      tpu.enqueue_dma source(%arg28 : memref<256x128xf32, #tpu.memory_space<vmem>>) target(%dma_start3A_222 : memref<256x128xf32, #tpu.memory_space<hbm>>) target_semaphore(%run_scoped3A_218 : memref<!tpu.dma_semaphore, #tpu.memory_space<semaphore_mem>>)
      %dma_wait3A_223 = arith.constant 0 : i32
      %dma_wait3A_224 = tpu.memref_slice %arg6[%add3A_180, %dma_wait3A_223] : memref<131072x128xf32, #tpu.memory_space<hbm>> -> memref<256x128xf32, #tpu.memory_space<hbm>>
      %dma_wait3A_225 = arith.constant 0 : i32
      %dma_wait3A_226 = tpu.memref_slice %arg6[%add3A_180, %dma_wait3A_225] : memref<131072x128xf32, #tpu.memory_space<hbm>> -> memref<256x128xf32, #tpu.memory_space<hbm>>
      tpu.wait_dma2 semaphore(%run_scoped3A_218 : memref<!tpu.dma_semaphore, #tpu.memory_space<semaphore_mem>>) src(%arg28 : memref<256x128xf32, #tpu.memory_space<vmem>>) dst(%dma_wait3A_226 : memref<256x128xf32, #tpu.memory_space<hbm>>)
      tpu.yield
    }) : () -> ()
    %dma_start3A_181 = arith.constant 0 : i32
    %dma_start3A_182 = arith.constant 0 : i32
    %dma_start3A_183 = tpu.memref_slice %arg2[%dma_start3A_181, %dma_start3A_182] : memref<1000000x128xf32, #tpu.memory_space<hbm>> -> memref<1000000x128xf32, #tpu.memory_space<hbm>>
    tpu.enqueue_indirect_dma source(%dma_start3A_183 : memref<1000000x128xf32, #tpu.memory_space<hbm>>) target(%arg28 : memref<256x128xf32, #tpu.memory_space<vmem>>) offsets(%arg24 : memref<256xi32, #tpu.memory_space<vmem>>) semaphore(%arg30 : memref<!tpu.dma_semaphore, #tpu.memory_space<semaphore_mem>>)
    %dma_wait3A_184 = arith.constant 0 : i32
    %dma_wait3A_185 = arith.constant 0 : i32
    %dma_wait3A_186 = tpu.memref_slice %arg2[%dma_wait3A_184, %dma_wait3A_185] : memref<1000000x128xf32, #tpu.memory_space<hbm>> -> memref<1000000x128xf32, #tpu.memory_space<hbm>>
    tpu.wait_indirect_dma semaphore(%arg29 : memref<!tpu.dma_semaphore, #tpu.memory_space<semaphore_mem>>) src(%dma_wait3A_186 : memref<1000000x128xf32, #tpu.memory_space<hbm>>) dst(%arg27 : memref<256x128xf32, #tpu.memory_space<vmem>>)
    %mul3A_187 = arith.constant 4096 : i32
    %mul3A_188 = arith.muli %add3A, %mul3A_187 : i32
    %add3A_189 = arith.constant 3072 : i32
    %add3A_190 = arith.addi %mul3A_188, %add3A_189 : i32
    "tpu.region"() ({
      %run_scoped3A_218 = tpu.sem_alloc : memref<!tpu.dma_semaphore, #tpu.memory_space<semaphore_mem>>
      %dma_start3A_219 = arith.constant 0 : i32
      %dma_start3A_220 = tpu.memref_slice %arg6[%add3A_190, %dma_start3A_219] : memref<131072x128xf32, #tpu.memory_space<hbm>> -> memref<256x128xf32, #tpu.memory_space<hbm>>
      %dma_start3A_221 = arith.constant 0 : i32
      %dma_start3A_222 = tpu.memref_slice %arg6[%add3A_190, %dma_start3A_221] : memref<131072x128xf32, #tpu.memory_space<hbm>> -> memref<256x128xf32, #tpu.memory_space<hbm>>
      tpu.enqueue_dma source(%arg27 : memref<256x128xf32, #tpu.memory_space<vmem>>) target(%dma_start3A_222 : memref<256x128xf32, #tpu.memory_space<hbm>>) target_semaphore(%run_scoped3A_218 : memref<!tpu.dma_semaphore, #tpu.memory_space<semaphore_mem>>)
      %dma_wait3A_223 = arith.constant 0 : i32
      %dma_wait3A_224 = tpu.memref_slice %arg6[%add3A_190, %dma_wait3A_223] : memref<131072x128xf32, #tpu.memory_space<hbm>> -> memref<256x128xf32, #tpu.memory_space<hbm>>
      %dma_wait3A_225 = arith.constant 0 : i32
      %dma_wait3A_226 = tpu.memref_slice %arg6[%add3A_190, %dma_wait3A_225] : memref<131072x128xf32, #tpu.memory_space<hbm>> -> memref<256x128xf32, #tpu.memory_space<hbm>>
      tpu.wait_dma2 semaphore(%run_scoped3A_218 : memref<!tpu.dma_semaphore, #tpu.memory_space<semaphore_mem>>) src(%arg27 : memref<256x128xf32, #tpu.memory_space<vmem>>) dst(%dma_wait3A_226 : memref<256x128xf32, #tpu.memory_space<hbm>>)
      tpu.yield
    }) : () -> ()
    %dma_start3A_191 = arith.constant 0 : i32
    %dma_start3A_192 = arith.constant 0 : i32
    %dma_start3A_193 = tpu.memref_slice %arg2[%dma_start3A_191, %dma_start3A_192] : memref<1000000x128xf32, #tpu.memory_space<hbm>> -> memref<1000000x128xf32, #tpu.memory_space<hbm>>
    tpu.enqueue_indirect_dma source(%dma_start3A_193 : memref<1000000x128xf32, #tpu.memory_space<hbm>>) target(%arg27 : memref<256x128xf32, #tpu.memory_space<vmem>>) offsets(%arg25 : memref<256xi32, #tpu.memory_space<vmem>>) semaphore(%arg29 : memref<!tpu.dma_semaphore, #tpu.memory_space<semaphore_mem>>)
    %dma_wait3A_194 = arith.constant 0 : i32
    %dma_wait3A_195 = arith.constant 0 : i32
    %dma_wait3A_196 = tpu.memref_slice %arg2[%dma_wait3A_194, %dma_wait3A_195] : memref<1000000x128xf32, #tpu.memory_space<hbm>> -> memref<1000000x128xf32, #tpu.memory_space<hbm>>
    tpu.wait_indirect_dma semaphore(%arg30 : memref<!tpu.dma_semaphore, #tpu.memory_space<semaphore_mem>>) src(%dma_wait3A_196 : memref<1000000x128xf32, #tpu.memory_space<hbm>>) dst(%arg28 : memref<256x128xf32, #tpu.memory_space<vmem>>)
    %mul3A_197 = arith.constant 4096 : i32
    %mul3A_198 = arith.muli %add3A, %mul3A_197 : i32
    %add3A_199 = arith.constant 3328 : i32
    %add3A_200 = arith.addi %mul3A_198, %add3A_199 : i32
    "tpu.region"() ({
      %run_scoped3A_218 = tpu.sem_alloc : memref<!tpu.dma_semaphore, #tpu.memory_space<semaphore_mem>>
      %dma_start3A_219 = arith.constant 0 : i32
      %dma_start3A_220 = tpu.memref_slice %arg6[%add3A_200, %dma_start3A_219] : memref<131072x128xf32, #tpu.memory_space<hbm>> -> memref<256x128xf32, #tpu.memory_space<hbm>>
      %dma_start3A_221 = arith.constant 0 : i32
      %dma_start3A_222 = tpu.memref_slice %arg6[%add3A_200, %dma_start3A_221] : memref<131072x128xf32, #tpu.memory_space<hbm>> -> memref<256x128xf32, #tpu.memory_space<hbm>>
      tpu.enqueue_dma source(%arg28 : memref<256x128xf32, #tpu.memory_space<vmem>>) target(%dma_start3A_222 : memref<256x128xf32, #tpu.memory_space<hbm>>) target_semaphore(%run_scoped3A_218 : memref<!tpu.dma_semaphore, #tpu.memory_space<semaphore_mem>>)
      %dma_wait3A_223 = arith.constant 0 : i32
      %dma_wait3A_224 = tpu.memref_slice %arg6[%add3A_200, %dma_wait3A_223] : memref<131072x128xf32, #tpu.memory_space<hbm>> -> memref<256x128xf32, #tpu.memory_space<hbm>>
      %dma_wait3A_225 = arith.constant 0 : i32
      %dma_wait3A_226 = tpu.memref_slice %arg6[%add3A_200, %dma_wait3A_225] : memref<131072x128xf32, #tpu.memory_space<hbm>> -> memref<256x128xf32, #tpu.memory_space<hbm>>
      tpu.wait_dma2 semaphore(%run_scoped3A_218 : memref<!tpu.dma_semaphore, #tpu.memory_space<semaphore_mem>>) src(%arg28 : memref<256x128xf32, #tpu.memory_space<vmem>>) dst(%dma_wait3A_226 : memref<256x128xf32, #tpu.memory_space<hbm>>)
      tpu.yield
    }) : () -> ()
    %dma_start3A_201 = arith.constant 0 : i32
    %dma_start3A_202 = arith.constant 0 : i32
    %dma_start3A_203 = tpu.memref_slice %arg2[%dma_start3A_201, %dma_start3A_202] : memref<1000000x128xf32, #tpu.memory_space<hbm>> -> memref<1000000x128xf32, #tpu.memory_space<hbm>>
    tpu.enqueue_indirect_dma source(%dma_start3A_203 : memref<1000000x128xf32, #tpu.memory_space<hbm>>) target(%arg28 : memref<256x128xf32, #tpu.memory_space<vmem>>) offsets(%arg26 : memref<256xi32, #tpu.memory_space<vmem>>) semaphore(%arg30 : memref<!tpu.dma_semaphore, #tpu.memory_space<semaphore_mem>>)
    %dma_wait3A_204 = arith.constant 0 : i32
    %dma_wait3A_205 = arith.constant 0 : i32
    %dma_wait3A_206 = tpu.memref_slice %arg2[%dma_wait3A_204, %dma_wait3A_205] : memref<1000000x128xf32, #tpu.memory_space<hbm>> -> memref<1000000x128xf32, #tpu.memory_space<hbm>>
    tpu.wait_indirect_dma semaphore(%arg29 : memref<!tpu.dma_semaphore, #tpu.memory_space<semaphore_mem>>) src(%dma_wait3A_206 : memref<1000000x128xf32, #tpu.memory_space<hbm>>) dst(%arg27 : memref<256x128xf32, #tpu.memory_space<vmem>>)
    %mul3A_207 = arith.constant 4096 : i32
    %mul3A_208 = arith.muli %add3A, %mul3A_207 : i32
    %add3A_209 = arith.constant 3584 : i32
    %add3A_210 = arith.addi %mul3A_208, %add3A_209 : i32
    "tpu.region"() ({
      %run_scoped3A_218 = tpu.sem_alloc : memref<!tpu.dma_semaphore, #tpu.memory_space<semaphore_mem>>
      %dma_start3A_219 = arith.constant 0 : i32
      %dma_start3A_220 = tpu.memref_slice %arg6[%add3A_210, %dma_start3A_219] : memref<131072x128xf32, #tpu.memory_space<hbm>> -> memref<256x128xf32, #tpu.memory_space<hbm>>
      %dma_start3A_221 = arith.constant 0 : i32
      %dma_start3A_222 = tpu.memref_slice %arg6[%add3A_210, %dma_start3A_221] : memref<131072x128xf32, #tpu.memory_space<hbm>> -> memref<256x128xf32, #tpu.memory_space<hbm>>
      tpu.enqueue_dma source(%arg27 : memref<256x128xf32, #tpu.memory_space<vmem>>) target(%dma_start3A_222 : memref<256x128xf32, #tpu.memory_space<hbm>>) target_semaphore(%run_scoped3A_218 : memref<!tpu.dma_semaphore, #tpu.memory_space<semaphore_mem>>)
      %dma_wait3A_223 = arith.constant 0 : i32
      %dma_wait3A_224 = tpu.memref_slice %arg6[%add3A_210, %dma_wait3A_223] : memref<131072x128xf32, #tpu.memory_space<hbm>> -> memref<256x128xf32, #tpu.memory_space<hbm>>
      %dma_wait3A_225 = arith.constant 0 : i32
      %dma_wait3A_226 = tpu.memref_slice %arg6[%add3A_210, %dma_wait3A_225] : memref<131072x128xf32, #tpu.memory_space<hbm>> -> memref<256x128xf32, #tpu.memory_space<hbm>>
      tpu.wait_dma2 semaphore(%run_scoped3A_218 : memref<!tpu.dma_semaphore, #tpu.memory_space<semaphore_mem>>) src(%arg27 : memref<256x128xf32, #tpu.memory_space<vmem>>) dst(%dma_wait3A_226 : memref<256x128xf32, #tpu.memory_space<hbm>>)
      tpu.yield
    }) : () -> ()
    %dma_wait3A_211 = arith.constant 0 : i32
    %dma_wait3A_212 = arith.constant 0 : i32
    %dma_wait3A_213 = tpu.memref_slice %arg2[%dma_wait3A_211, %dma_wait3A_212] : memref<1000000x128xf32, #tpu.memory_space<hbm>> -> memref<1000000x128xf32, #tpu.memory_space<hbm>>
    tpu.wait_indirect_dma semaphore(%arg30 : memref<!tpu.dma_semaphore, #tpu.memory_space<semaphore_mem>>) src(%dma_wait3A_213 : memref<1000000x128xf32, #tpu.memory_space<hbm>>) dst(%arg28 : memref<256x128xf32, #tpu.memory_space<vmem>>)
    %mul3A_214 = arith.constant 4096 : i32
    %mul3A_215 = arith.muli %add3A, %mul3A_214 : i32
    %add3A_216 = arith.constant 3840 : i32
    %add3A_217 = arith.addi %mul3A_215, %add3A_216 : i32
    "tpu.region"() ({
      %run_scoped3A_218 = tpu.sem_alloc : memref<!tpu.dma_semaphore, #tpu.memory_space<semaphore_mem>>
      %dma_start3A_219 = arith.constant 0 : i32
      %dma_start3A_220 = tpu.memref_slice %arg6[%add3A_217, %dma_start3A_219] : memref<131072x128xf32, #tpu.memory_space<hbm>> -> memref<256x128xf32, #tpu.memory_space<hbm>>
      %dma_start3A_221 = arith.constant 0 : i32
      %dma_start3A_222 = tpu.memref_slice %arg6[%add3A_217, %dma_start3A_221] : memref<131072x128xf32, #tpu.memory_space<hbm>> -> memref<256x128xf32, #tpu.memory_space<hbm>>
      tpu.enqueue_dma source(%arg28 : memref<256x128xf32, #tpu.memory_space<vmem>>) target(%dma_start3A_222 : memref<256x128xf32, #tpu.memory_space<hbm>>) target_semaphore(%run_scoped3A_218 : memref<!tpu.dma_semaphore, #tpu.memory_space<semaphore_mem>>)
      %dma_wait3A_223 = arith.constant 0 : i32
      %dma_wait3A_224 = tpu.memref_slice %arg6[%add3A_217, %dma_wait3A_223] : memref<131072x128xf32, #tpu.memory_space<hbm>> -> memref<256x128xf32, #tpu.memory_space<hbm>>
      %dma_wait3A_225 = arith.constant 0 : i32
      %dma_wait3A_226 = tpu.memref_slice %arg6[%add3A_217, %dma_wait3A_225] : memref<131072x128xf32, #tpu.memory_space<hbm>> -> memref<256x128xf32, #tpu.memory_space<hbm>>
      tpu.wait_dma2 semaphore(%run_scoped3A_218 : memref<!tpu.dma_semaphore, #tpu.memory_space<semaphore_mem>>) src(%arg28 : memref<256x128xf32, #tpu.memory_space<vmem>>) dst(%dma_wait3A_226 : memref<256x128xf32, #tpu.memory_space<hbm>>)
      tpu.yield
    }) : () -> ()
    return
  }
}

</mosaic_0001>

<sc_bundles>
// kernel: kernel.3.cloned.1.call-start
scs
__scs_entry_jumppad:
0x0: {  	(pc) =	sbr.rel $0x88, $3  }
0x1: {  	(tag) =	ssettag $0x0;
	lr =	simm.s32 $0x1  }
0x2: {  	[smem:$0x3F9F] =	sst lr;
	_ =	strace $0xD0000000  }
0x3: {  	_ = 	snop  }
0x4: {  	_ = 	snop  }
0x5: {  	_ = 	snop  }
0x6: {  	_ = 	snop  }
0x7: {  	_ = 	snop  }
__scs_overlays_trampoline_lowered:
0x8: {  	[smem:$0x3FAE] =	sst s0  }
0x9: {  	[smem:$0x3FAF] =	sst s1  }
0xa: {  	[smem:$0x3FB0] =	sst s2  }
0xb: {  	[smem:$0x3FB1] =	sst s3  }
0xc: {  	[smem:$0x3FB2] =	sst s4  }
0xd: {  	[smem:$0x3FB3] =	sst s5  }
0xe: {  	[smem:$0x3FB4] =	sst s6  }
0xf: {  	[smem:$0x3FB5] =	sst s7  }
0x10: {  	[smem:$0x3FB6] =	sst s8  }
0x11: {  	[smem:$0x3FB7] =	sst s9;
	s0 =	simm.s32 @!p0 $0x0  }
0x12: {  	s1 =	sld [smem:$0x3F9D];
	s0 =	simm.s32 @p0 $0x1  }
0x13: {  	[smem:$0x3FB8] =	sst s0;
	s0 =	simm.s32 @!p1 $0x0  }
0x14: {  	s2 =	sld [smem:$0x3F9C];
	s0 =	simm.s32 @p1 $0x1  }
0x15: {  	[smem:$0x3FB9] =	sst s0;
	s0 =	simm.s32 @!p2 $0x0  }
0x16: {  	s3 =	sld [smem:$0x3FDB];
	s0 =	simm.s32 @p2 $0x1  }
0x17: {  	s4 =	simm.s32 $0x1BF5;
	[smem:$0x3FBB] =	sst s0  }
0x18: {  	s0 =	sld [smem:$0x3F9E];
	_ =	swait.ge [sflag:s4], $0x0  }
0x19: {  	s7 =	sld [smem:$0x3F9F]  }
0x1a: {  	s8 =	sadd.s32 $0xFFFFE003, lr  }
0x1b: {  	s9 =	sadd.s32 $0xFFFFFEF7, lr;
	s5 =	simm.s32 $0xFFFFFFFF;
	p2 =	slt.u32 s8, $0xFFFFF086  }
0x1c: {  	p1 =	slt.u32 s9, $0xF7A;
	s5 =	simm.s32 @!p2 $0x0  }
0x1d: {  	s5 =	simm.s32 @p1 $0x1;
	p0 =	seq.s32 s7, s2  }
0x1e: {  	s7 =	smul.u32 @!p0 $0xF7A, s2;
	p2 =	seq.s32 @!p0 s5, $0x0  }
0x1f: {  	s9 =	smul.u32 $0xF7A, s1;
	s8 =	simm.s32 @!p0 $0x1BF5;
	p2 =	por !p2, p0  }
0x20: {  	[sflag:s8] =	ssyncset.s32 @!p0 $0xFFFFF086;
	s6 =	sadd.s32 @!p0 s3, s7;
	s7 =	simm.s32 @!p0 $0x108  }
0x21: {  	s3 =	sadd.s32 s3, s9;
	s6 =	sadd.s32 @!p0 $0x88, s6;
	s7 =	simm.s32 @p2 $0x1082  }
0x22: {  	[simem:s7], [sflag:s8] =	dma.local @!p0 [hbm:s6], $0xF7A  }
0x23: {  	s9 =	sor.u32 $0xD0000000, s2;
	s6 =	simm.s32 $0x108;
	_ =	swait.ge @!p0 [sflag:s8], $0x0  }
0x24: {  	s3 =	sadd.s32 $0x88, s3;
	s6 =	simm.s32 @!p1 $0x1082;
	[sflag:s4] =	ssyncset.s32 $0xFFFFF086  }
0x25: {  	[simem:s6], [sflag:s4] =	dma.local [hbm:s3], $0xF7A  }
0x26: {  	[smem:$0x3F9F] =	sst s1;
	(tag) =	ssettag s2;
	_ =	strace s9  }
0x27: {  	s1 =	sld [smem:$0x3FAF]  }
0x28: {  	s2 =	sld [smem:$0x3FB0]  }
0x29: {  	s4 =	sld [smem:$0x3FB2]  }
0x2a: {  	p0 =	seq.s32 s5, $0x0;
	s5 =	sld [smem:$0x3FB3]  }
0x2b: {  	s6 =	sld [smem:$0x3FB4]  }
0x2c: {  	s7 =	sld [smem:$0x3FB5]  }
0x2d: {  	s3 =	simm.s32 $0x108;
	s8 =	sld [smem:$0x3FB6]  }
0x2e: {  	s3 =	simm.s32 @!p0 $0x1082;
	s9 =	sld [smem:$0x3FB7]  }
0x2f: {  	lr =	sadd.s32 s0, s3;
	s0 =	sld [smem:$0x3FAE]  }
0x30: {  	s3 =	sld [smem:$0x3FB1]  }
0x31: {  	[smem:$0x3FBA] =	sst s10  }
0x32: {  	s10 =	sld [smem:$0x3FB8];
	_ =	sdelay $0x3  }
0x33: {  	p0 =	seq.s32 s10, $0x1;
	s10 =	sld [smem:$0x3FBA];
	_ =	sdelay $0x3  }
0x34: {  	[smem:$0x3FBA] =	sst s10  }
0x35: {  	s10 =	sld [smem:$0x3FB9];
	_ =	sdelay $0x3  }
0x36: {  	p1 =	seq.s32 s10, $0x1;
	s10 =	sld [smem:$0x3FBA];
	_ =	sdelay $0x3  }
0x37: {  	[smem:$0x3FBA] =	sst s10  }
0x38: {  	s10 =	sld [smem:$0x3FBB]  }
0x39: {  	_ = 	snop;
	(pc) =	sbr.ind lr, $3  }
0x3a: {  	_ = 	snop  }
0x3b: {  	_ = 	snop  }
0x3c: {  	p2 =	seq.s32 s10, $0x1;
	s10 =	sld [smem:$0x3FBA]  }
0x3d: {  	_ =	shalt  }
0x3e: {  	_ =	shalt  }
0x3f: {  	_ =	shalt  }
0x40: {  	_ =	shalt  }
0x41: {  	_ =	shalt  }
0x42: {  	_ =	shalt  }
0x43: {  	_ =	shalt  }
0x44: {  	_ =	shalt  }
0x45: {  	_ =	shalt  }
0x46: {  	_ =	shalt  }
0x47: {  	_ =	shalt  }
0x48: {  	_ =	shalt  }
0x49: {  	_ =	shalt  }
0x4a: {  	_ =	shalt  }
0x4b: {  	_ =	shalt  }
0x4c: {  	_ =	shalt  }
0x4d: {  	_ =	shalt  }
0x4e: {  	_ =	shalt  }
0x4f: {  	_ =	shalt  }
0x50: {  	_ =	shalt  }
0x51: {  	_ =	shalt  }
0x52: {  	_ =	shalt  }
0x53: {  	_ =	shalt  }
0x54: {  	_ =	shalt  }
0x55: {  	_ =	shalt  }
0x56: {  	_ =	shalt  }
0x57: {  	_ =	shalt  }
0x58: {  	_ =	shalt  }
0x59: {  	_ =	shalt  }
0x5a: {  	_ =	shalt  }
0x5b: {  	_ =	shalt  }
0x5c: {  	_ =	shalt  }
0x5d: {  	_ =	shalt  }
0x5e: {  	_ =	shalt  }
0x5f: {  	_ =	shalt  }
0x60: {  	_ =	shalt  }
0x61: {  	_ =	shalt  }
0x62: {  	_ =	shalt  }
0x63: {  	_ =	shalt  }
0x64: {  	_ =	shalt  }
0x65: {  	_ =	shalt  }
0x66: {  	_ =	shalt  }
0x67: {  	_ =	shalt  }
0x68: {  	_ =	shalt  }
0x69: {  	_ =	shalt  }
0x6a: {  	_ =	shalt  }
0x6b: {  	_ =	shalt  }
0x6c: {  	_ =	shalt  }
0x6d: {  	_ =	shalt  }
0x6e: {  	_ =	shalt  }
0x6f: {  	_ =	shalt  }
0x70: {  	_ =	shalt  }
0x71: {  	_ =	shalt  }
0x72: {  	_ =	shalt  }
0x73: {  	_ =	shalt  }
0x74: {  	_ =	shalt  }
0x75: {  	_ =	shalt  }
0x76: {  	_ =	shalt  }
0x77: {  	_ =	shalt  }
0x78: {  	_ =	shalt  }
0x79: {  	_ =	shalt  }
0x7a: {  	_ =	shalt  }
0x7b: {  	_ =	shalt  }
0x7c: {  	_ =	shalt  }
0x7d: {  	_ =	shalt  }
0x7e: {  	_ =	shalt  }
0x7f: {  	_ =	shalt  }
0x80: {  	_ =	shalt  }
0x81: {  	_ =	shalt  }
0x82: {  	_ =	shalt  }
0x83: {  	_ =	shalt  }
0x84: {  	_ =	shalt  }
0x85: {  	_ =	shalt  }
0x86: {  	_ =	shalt  }
0x87: {  	_ =	shalt  }
.Lfunc_end0:
.L_simem_size_0:
called_computation.1_lowered:
.L_overlay_start_0:
0x88: {  	s2 =	sld [smem:$0x3FD9]  }
0x89: {  	s3 =	sld [smem:$0x3FFE];
	_ =	sdelay $0x1  }
0x8a: {  	s1 =	srdreg.scid  }
0x8b: {  	s0 =	sand.u32 $0x1, s1  }
0x8c: {  	s14 =	sshll.u32 s0, $0xA;
	s2 =	sadd.s32 s3, s2  }
0x8d: {  	s2 =	sadd.s32 s2, s14  }
0x8e: {  	[smem:$0x3FC6] =	sst s2  }
0x8f: {  	_ = 	snop  }
0x90: {  	s2 =	sld [smem:$0x3FD0];
	_ =	sdelay $0x2  }
0x91: {  	s15 =	simm.s32 $0xA;
	s4 =	simm.s32 $0x10  }
0x92: {  	[smem:s4], [sflag:s15] =	dma.local [hbm:s2], $0x1  }
0x93: {  	_ =	swait.eq [sflag:s15], $0x1  }
0x94: {  	[sflag:s15] =	ssyncset.done $0x0  }
0x95: {  	[sflag:s15] =	ssyncadd.s32 $0xFFFFFFFF  }
0x96: {  	s16 =	sld [smem:$0x11];
	(tm) =	ssettm $0x1  }
0x97: {  	s17 =	sld [smem:$0x3FFB];
	_ =	sdelay $0x3  }
0x98: {  	_ =	strace s17  }
0x99: {  	s3 =	sld [smem:$0x3FFC];
	_ =	sdelay $0x3  }
0x9a: {  	_ =	strace s3  }
0x9b: {  	s3 =	sld [smem:$0x3FFD];
	_ =	sdelay $0x3  }
0x9c: {  	_ =	strace s3  }
0x9d: {  	_ =	strace $0x8FFFFFFF  }
0x9e: {  	s18 =	sld [smem:$0x3FDB];
	_ =	sdelay $0x1  }
0x9f: {  	s19 =	simm.s32 $_scs_section_size  }
0xa0: {  	s5 =	simm.s32 $_size__tile_overlayer_lowered;
	s6 =	simm.s32 $_tile_overlayer_lowered  }
0xa1: {  	s22 =	simm.s32 $0x1BFF;
	s21 =	sshll.u32 s6, $0x1;
	s3 =	sadd.s32 s19, s18  }
0xa2: {  	s7 =	simm.s32 $0x0;
	s20 =	sshll.u32 s5, $0x1;
	s5 =	sadd.s32 s21, s3  }
0xa3: {  	[timem:s7], [sflag:s22] =	dma.local [hbm:s5], s20  }
0xa4: {  	_ =	swait.ge [sflag:s22], s20  }
0xa5: {  	s4 =	ssub.s32 $0x0, s20;
	[sflag:s22] =	ssyncset.done $0x0  }
0xa6: {  	[sflag:s22] =	ssyncadd.s32 s4;
	_ =	sdelay $0x1  }
0xa7: {  	s23 =	simm.s32 $0x1B8B  }
0xa8: {  	_ =	swait.ge [sflag:s23], $0x1  }
0xa9: {  	[sflag:s23] =	ssyncset.done $0x0  }
0xaa: {  	s25 =	simm.s32 $0x1B8E;
	s24 =	sld [smem:$0x3FFE];
	[sflag:s23] =	ssyncadd.s32 $0xFFFFFFFF  }
0xab: {  	s26 =	simm.s32 $execute0_lowered;
	[smem:$0x3FD2] =	sst s25  }
0xac: {  	s5 =	sshll.u32 s26, $0x1;
	_ =	strace $0x80000046;
	[dreg:$0x1] =	wrdreg $0xFFFFFFFF  }
0xad: {  	s28 =	simm.s32 $_size_execute0_lowered;
	s3 =	sadd.s32 s3, s5;
	[dreg:$0x0] =	wrdreg $0x0  }
0xae: {  	s5 =	sshll.u32 s28, $0x1;
	[dreg:$0x2] =	wrdreg s3  }
0xaf: {  	[dreg:$0x3] =	wrdreg s5  }
0xb0: {  	[dreg:$0x4] =	wrdreg $0xC0  }
0xb1: {  	_ =	task [dreg:s7], $0x5FFFF  }
0xb2: {  	[dreg:$0x1] =	wrdreg $0xFFFFFFFF  }
0xb3: {  	[dreg:$0x0] =	wrdreg $0x60  }
0xb4: {  	[dreg:$0x2] =	wrdreg s24  }
0xb5: {  	[dreg:$0x3] =	wrdreg s16  }
0xb6: {  	[dreg:$0x4] =	wrdreg $0x9  }
0xb7: {  	_ =	task.clear_ibuf [dreg:s7], $0x5FFFF;
	_ =	strace $0x90000046  }
0xb8: {  	s29 =	simm.s32 $0x9;
	_ =	strace $0x80000048  }
0xb9: {  	_ =	swait.ge [sflag:s29], $0x1  }
0xba: {  	[sflag:s29] =	ssyncadd.s32 $0xFFFFFFFF  }
0xbb: {  	_ =	strace $0x90000048  }
0xbc: {  	_ =	sfence  }
0xbd: {  	s30 =	sld [smem:$0x0];
	_ =	sdelay $0x2  }
0xbe: {  	s31 =	sshll.u32 s1, $0xD;
	s1 =	sshrl.u32 s1, $0x2  }
0xbf: {  	s3 =	sand.u32 $0x4000, s31;
	s1 =	sadd.s32 s1, s30  }
0xc0: {  	s0 =	sor.u32 s3, s0;
	s1 =	sshll.u32 s1, $0x11  }
0xc1: {  	s0 =	sor.u32 s1, s0  }
0xc2: {  	s0 =	sadd.s32 $0x8F2B, s0  }
0xc3: {  	[sflag:s0] =	ssyncadd.remote.s32 $0x1  }
0xc4: {  	_ =	sfence.sel $0xFFFF  }
0xc5: {  	[dreg:$0x0] =	wrdreg $0xFFFFFFFF;
	(pc) =	sbr.abs _section_cstart, $3  }
0xc6: {  	[dreg:$0x1] =	wrdreg $0xFFFFFFFF  }
0xc7: {  	_ =	task.clear_ibuf [dreg:s7], $0x2FFFF;
	_ =	strace $0x9FFFFFFF  }
0xc8: {  	(tm) =	ssettm $0x7FFFFFFF  }
0xc9: {  	_ =	shalt  }
tec
execute0_lowered:
.L_overlay_start_1:
0x0: {  	(tag) =	ssettag $0x1  }
0x1: {  	s1 =	srdreg.scid;
	s0 =	stileid.u32  }
0x2: {  	s1 =	sand.u32 $0x1, s1;
	s2 =	sshll.u32 s0, $0x1  }
0x3: {  	s4 =	sor.u32 s1, s2  }
0x4: {  	s3 =	smul.u32 $0x1400, s4;
	_ =	sdelay $0x1  }
0x5: {  	s5 =	rddreg [dreg:$0x1];
	s2 =	simm.s32 $0x0;
	s3 =	sshrl.u32 s3, $0x3  }
0x6: {  	[smem:$0x7FF] =	sst s2;
	s3 =	sadd.s32 s5, s3  }
0x7: {  	s24 =	rddreg [dreg:$0x0];
	_ =	strace $0x80000047;
	s5 =	sadd.s32 $0x20, s3  }
0x8: {  	[tilespmem:s2], [sflag:$0x3] =	stream.linear.gather [hbm4b:s3+s2], $0x100, $0x38;
	[tilespmem:$0x11400] =	vst v63  }
0x9: {  	s7 =	sadd.s32 $0x40, s3;
	[dreg:$0x3] =	wrdreg s5  }
0xa: {  	s8 =	sadd.s32 $0x60, s3;
	[dreg:$0x4] =	wrdreg s7  }
0xb: {  	s9 =	sadd.s32 $0x80, s3;
	[dreg:$0x5] =	wrdreg s8  }
0xc: {  	s10 =	sadd.s32 $0xA0, s3;
	[dreg:$0x6] =	wrdreg s9  }
0xd: {  	s11 =	sadd.s32 $0xC0, s3;
	[dreg:$0x7] =	wrdreg s10  }
0xe: {  	s12 =	sadd.s32 $0xE0, s3;
	[dreg:$0x8] =	wrdreg s11  }
0xf: {  	s13 =	sadd.s32 $0x100, s3;
	[dreg:$0x9] =	wrdreg s12  }
0x10: {  	s14 =	sadd.s32 $0x120, s3;
	[dreg:$0xa] =	wrdreg s13  }
0x11: {  	s15 =	sadd.s32 $0x140, s3;
	[dreg:$0xb] =	wrdreg s14  }
0x12: {  	s16 =	sadd.s32 $0x160, s3;
	[dreg:$0xc] =	wrdreg s15  }
0x13: {  	s17 =	sadd.s32 $0x180, s3;
	[dreg:$0xd] =	wrdreg s16  }
0x14: {  	s18 =	sadd.s32 $0x1A0, s3;
	[dreg:$0xe] =	wrdreg s17  }
0x15: {  	s19 =	sadd.s32 $0x1C0, s3;
	[dreg:$0xf] =	wrdreg s18  }
0x16: {  	s20 =	sadd.s32 $0x1E0, s3;
	[dreg:$0x10] =	wrdreg s19  }
0x17: {  	s21 =	sadd.s32 $0x200, s3;
	[dreg:$0x11] =	wrdreg s20  }
0x18: {  	s22 =	sadd.s32 $0x220, s3;
	[dreg:$0x12] =	wrdreg s21  }
0x19: {  	s6 =	sadd.s32 $0x200E00, s24;
	s23 =	sadd.s32 $0x240, s3;
	[dreg:$0x13] =	wrdreg s22  }
0x1a: {  	s25 =	sadd.s32 $0x260, s3;
	[dreg:$0x14] =	wrdreg s23;
	s7 =	sshll.u32 s4, $0xD  }
0x1b: {  	[dreg:$0x15] =	wrdreg s25;
	s26 =	sadd.s32 s6, s7;
	s8 =	sor.u32 $0x1000, s7  }
0x1c: {  	s9 =	sadd.s32 $0x240E00, s24;
	[dreg:$0x16] =	wrdreg s26;
	s0 =	sadd.s32 s6, s8  }
0x1d: {  	s4 =	sshll.u32 s4, $0x10;
	s6 =	sadd.s32 s9, s7;
	[dreg:$0x17] =	wrdreg s0  }
0x1e: {  	s31 =	sadd.s32 s4, s24;
	s7 =	sadd.s32 s9, s8;
	[dreg:$0x18] =	wrdreg s6  }
0x1f: {  	s8 =	sadd.s32 $0xE00, s31;
	[dreg:$0x19] =	wrdreg s7  }
0x20: {  	s9 =	sadd.s32 $0x1E00, s31;
	[dreg:$0x1a] =	wrdreg s8  }
0x21: {  	s10 =	sadd.s32 $0x2E00, s31;
	[dreg:$0x1b] =	wrdreg s9  }
0x22: {  	s11 =	sadd.s32 $0x3E00, s31;
	[dreg:$0x1c] =	wrdreg s10  }
0x23: {  	s12 =	sadd.s32 $0x4E00, s31;
	[dreg:$0x1d] =	wrdreg s11  }
0x24: {  	s13 =	sadd.s32 $0x5E00, s31;
	[dreg:$0x1e] =	wrdreg s12  }
0x25: {  	s14 =	sadd.s32 $0x6E00, s31;
	[dreg:$0x1f] =	wrdreg s13  }
0x26: {  	s15 =	sadd.s32 $0x7E00, s31;
	[smem:$0x7F6] =	sst s14  }
0x27: {  	s16 =	sadd.s32 $0x8E00, s31;
	[smem:$0x7F7] =	sst s15  }
0x28: {  	s17 =	sadd.s32 $0x9E00, s31;
	[smem:$0x7F8] =	sst s16  }
0x29: {  	s18 =	sadd.s32 $0xAE00, s31;
	[smem:$0x7F9] =	sst s17  }
0x2a: {  	s19 =	sadd.s32 $0xBE00, s31;
	[smem:$0x7FA] =	sst s18  }
0x2b: {  	s20 =	sadd.s32 $0xCE00, s31;
	[smem:$0x7FB] =	sst s19  }
0x2c: {  	s21 =	sadd.s32 $0xDE00, s31;
	[smem:$0x7FC] =	sst s20  }
0x2d: {  	s4 =	simm.s32 $0x3;
	[smem:$0x7FD] =	sst s21  }
0x2e: {  	_ =	swait.ge [sflag:s4], $0x100  }
0x2f: {  	[sflag:s4] =	ssyncset.done $0x0  }
0x30: {  	s5 =	simm.s32 $0x100;
	s22 =	rddreg [dreg:$0x3];
	[sflag:s4] =	ssyncadd.s32 $0xFFFFFF00  }
0x31: {  	[tilespmem:s5], [sflag:$0x3] =	stream.linear.gather [hbm4b:s22+s2], $0x100, $0x38;
	[tilespmem:$0x11400] =	vst v63  }
0x32: {  	_ =	swait.ge [sflag:s4], $0x100  }
0x33: {  	[sflag:s4] =	ssyncset.done $0x0  }
0x34: {  	s6 =	simm.s32 $0x200;
	s23 =	rddreg [dreg:$0x4];
	[sflag:s4] =	ssyncadd.s32 $0xFFFFFF00  }
0x35: {  	[tilespmem:s6], [sflag:$0x3] =	stream.linear.gather [hbm4b:s23+s2], $0x100, $0x38;
	[tilespmem:$0x11400] =	vst v63  }
0x36: {  	_ =	swait.ge [sflag:s4], $0x100  }
0x37: {  	[sflag:s4] =	ssyncset.done $0x0  }
0x38: {  	s7 =	simm.s32 $0x300;
	s25 =	rddreg [dreg:$0x5];
	[sflag:s4] =	ssyncadd.s32 $0xFFFFFF00  }
0x39: {  	[tilespmem:s7], [sflag:$0x3] =	stream.linear.gather [hbm4b:s25+s2], $0x100, $0x38;
	[tilespmem:$0x11400] =	vst v63  }
0x3a: {  	_ =	swait.ge [sflag:s4], $0x100  }
0x3b: {  	[sflag:s4] =	ssyncset.done $0x0  }
0x3c: {  	s8 =	simm.s32 $0x400;
	s26 =	rddreg [dreg:$0x6];
	[sflag:s4] =	ssyncadd.s32 $0xFFFFFF00  }
0x3d: {  	[tilespmem:s8], [sflag:$0x3] =	stream.linear.gather [hbm4b:s26+s2], $0x100, $0x38;
	[tilespmem:$0x11400] =	vst v63  }
0x3e: {  	_ =	swait.ge [sflag:s4], $0x100  }
0x3f: {  	[sflag:s4] =	ssyncset.done $0x0  }
0x40: {  	s9 =	simm.s32 $0x500;
	s10 =	rddreg [dreg:$0x7];
	[sflag:s4] =	ssyncadd.s32 $0xFFFFFF00  }
0x41: {  	[tilespmem:s9], [sflag:$0x3] =	stream.linear.gather [hbm4b:s10+s2], $0x100, $0x38;
	[tilespmem:$0x11400] =	vst v63  }
0x42: {  	_ =	swait.ge [sflag:s4], $0x100  }
0x43: {  	[sflag:s4] =	ssyncset.done $0x0  }
0x44: {  	s10 =	simm.s32 $0x600;
	s11 =	rddreg [dreg:$0x8];
	[sflag:s4] =	ssyncadd.s32 $0xFFFFFF00  }
0x45: {  	[tilespmem:s10], [sflag:$0x3] =	stream.linear.gather [hbm4b:s11+s2], $0x100, $0x38;
	[tilespmem:$0x11400] =	vst v63  }
0x46: {  	_ =	swait.ge [sflag:s4], $0x100  }
0x47: {  	[sflag:s4] =	ssyncset.done $0x0  }
0x48: {  	s11 =	simm.s32 $0x700;
	s12 =	rddreg [dreg:$0x9];
	[sflag:s4] =	ssyncadd.s32 $0xFFFFFF00  }
0x49: {  	[tilespmem:s11], [sflag:$0x3] =	stream.linear.gather [hbm4b:s12+s2], $0x100, $0x38;
	[tilespmem:$0x11400] =	vst v63  }
0x4a: {  	_ =	swait.ge [sflag:s4], $0x100  }
0x4b: {  	[sflag:s4] =	ssyncset.done $0x0  }
0x4c: {  	s12 =	simm.s32 $0x800;
	s13 =	rddreg [dreg:$0xa];
	[sflag:s4] =	ssyncadd.s32 $0xFFFFFF00  }
0x4d: {  	[tilespmem:s12], [sflag:$0x3] =	stream.linear.gather [hbm4b:s13+s2], $0x100, $0x38;
	[tilespmem:$0x11400] =	vst v63  }
0x4e: {  	_ =	swait.ge [sflag:s4], $0x100  }
0x4f: {  	[sflag:s4] =	ssyncset.done $0x0  }
0x50: {  	s13 =	simm.s32 $0x900;
	s14 =	rddreg [dreg:$0xb];
	[sflag:s4] =	ssyncadd.s32 $0xFFFFFF00  }
0x51: {  	[tilespmem:s13], [sflag:$0x3] =	stream.linear.gather [hbm4b:s14+s2], $0x100, $0x38;
	[tilespmem:$0x11400] =	vst v63  }
0x52: {  	_ =	swait.ge [sflag:s4], $0x100  }
0x53: {  	[sflag:s4] =	ssyncset.done $0x0  }
0x54: {  	s14 =	simm.s32 $0xA00;
	s15 =	rddreg [dreg:$0xc];
	[sflag:s4] =	ssyncadd.s32 $0xFFFFFF00  }
0x55: {  	[tilespmem:s14], [sflag:$0x3] =	stream.linear.gather [hbm4b:s15+s2], $0x100, $0x38;
	[tilespmem:$0x11400] =	vst v63  }
0x56: {  	_ =	swait.ge [sflag:s4], $0x100  }
0x57: {  	[sflag:s4] =	ssyncset.done $0x0  }
0x58: {  	s15 =	simm.s32 $0xB00;
	s16 =	rddreg [dreg:$0xd];
	[sflag:s4] =	ssyncadd.s32 $0xFFFFFF00  }
0x59: {  	[tilespmem:s15], [sflag:$0x3] =	stream.linear.gather [hbm4b:s16+s2], $0x100, $0x38;
	[tilespmem:$0x11400] =	vst v63  }
0x5a: {  	_ =	swait.ge [sflag:s4], $0x100  }
0x5b: {  	[sflag:s4] =	ssyncset.done $0x0  }
0x5c: {  	s16 =	simm.s32 $0xC00;
	s17 =	rddreg [dreg:$0xe];
	[sflag:s4] =	ssyncadd.s32 $0xFFFFFF00  }
0x5d: {  	[tilespmem:s16], [sflag:$0x3] =	stream.linear.gather [hbm4b:s17+s2], $0x100, $0x38;
	[tilespmem:$0x11400] =	vst v63  }
0x5e: {  	_ =	swait.ge [sflag:s4], $0x100  }
0x5f: {  	[sflag:s4] =	ssyncset.done $0x0  }
0x60: {  	s17 =	simm.s32 $0xD00;
	s18 =	rddreg [dreg:$0xf];
	[sflag:s4] =	ssyncadd.s32 $0xFFFFFF00  }
0x61: {  	[tilespmem:s17], [sflag:$0x3] =	stream.linear.gather [hbm4b:s18+s2], $0x100, $0x38;
	[tilespmem:$0x11400] =	vst v63  }
0x62: {  	_ =	swait.ge [sflag:s4], $0x100  }
0x63: {  	[sflag:s4] =	ssyncset.done $0x0  }
0x64: {  	s18 =	simm.s32 $0xE00;
	s19 =	rddreg [dreg:$0x10];
	[sflag:s4] =	ssyncadd.s32 $0xFFFFFF00  }
0x65: {  	[tilespmem:s18], [sflag:$0x3] =	stream.linear.gather [hbm4b:s19+s2], $0x100, $0x38;
	[tilespmem:$0x11400] =	vst v63  }
0x66: {  	_ =	swait.ge [sflag:s4], $0x100  }
0x67: {  	[sflag:s4] =	ssyncset.done $0x0  }
0x68: {  	s19 =	simm.s32 $0xF00;
	s20 =	rddreg [dreg:$0x11];
	[sflag:s4] =	ssyncadd.s32 $0xFFFFFF00  }
0x69: {  	[tilespmem:s19], [sflag:$0x3] =	stream.linear.gather [hbm4b:s20+s2], $0x100, $0x38;
	[tilespmem:$0x11400] =	vst v63  }
0x6a: {  	_ =	swait.ge [sflag:s4], $0x100  }
0x6b: {  	[sflag:s4] =	ssyncset.done $0x0  }
0x6c: {  	s20 =	simm.s32 $0x1000;
	s21 =	rddreg [dreg:$0x12];
	[sflag:s4] =	ssyncadd.s32 $0xFFFFFF00  }
0x6d: {  	[tilespmem:s20], [sflag:$0x3] =	stream.linear.gather [hbm4b:s21+s2], $0x100, $0x38;
	[tilespmem:$0x11400] =	vst v63  }
0x6e: {  	_ =	swait.ge [sflag:s4], $0x100  }
0x6f: {  	[sflag:s4] =	ssyncset.done $0x0  }
0x70: {  	s21 =	simm.s32 $0x1100;
	s22 =	rddreg [dreg:$0x13];
	[sflag:s4] =	ssyncadd.s32 $0xFFFFFF00  }
0x71: {  	[tilespmem:s21], [sflag:$0x3] =	stream.linear.gather [hbm4b:s22+s2], $0x100, $0x38;
	[tilespmem:$0x11400] =	vst v63  }
0x72: {  	_ =	swait.ge [sflag:s4], $0x100  }
0x73: {  	[sflag:s4] =	ssyncset.done $0x0  }
0x74: {  	s22 =	simm.s32 $0x1200;
	s23 =	rddreg [dreg:$0x14];
	[sflag:s4] =	ssyncadd.s32 $0xFFFFFF00  }
0x75: {  	[tilespmem:s22], [sflag:$0x3] =	stream.linear.gather [hbm4b:s23+s2], $0x100, $0x38;
	[tilespmem:$0x11400] =	vst v63  }
0x76: {  	_ =	swait.ge [sflag:s4], $0x100  }
0x77: {  	[sflag:s4] =	ssyncset.done $0x0  }
0x78: {  	s23 =	simm.s32 $0x1300;
	s25 =	rddreg [dreg:$0x15];
	[sflag:s4] =	ssyncadd.s32 $0xFFFFFF00  }
0x79: {  	[tilespmem:s23], [sflag:$0x3] =	stream.linear.gather [hbm4b:s25+s2], $0x100, $0x38;
	[tilespmem:$0x11400] =	vst v63  }
0x7a: {  	_ =	swait.ge [sflag:s4], $0x100  }
0x7b: {  	[sflag:s4] =	ssyncset.done $0x0  }
0x7c: {  	s24 =	sadd.s32 $0xF43200, s24;
	s25 =	simm.s32 $0x1400;
	[sflag:s4] =	ssyncadd.s32 $0xFFFFFF00  }
0x7d: {  	[tilespmem:s25], [sflag:$0x1] =	stream.indirect.gather [hbm4b:s24+s5], $0x80, s2, s5, $0xb8;
	[tilespmem:$0x11400] =	vst v63  }
0x7e: {  	s28 =	simm.s32 $0x1;
	s26 =	simm.s32 $0x9400  }
0x7f: {  	[tilespmem:s26], [sflag:$0x2] =	stream.indirect.gather [hbm4b:s24+s5], $0x80, s5, s5, $0xb8;
	[tilespmem:$0x11400] =	vst v63  }
0x80: {  	_ =	swait.ge [sflag:s28], $0x8000  }
0x81: {  	[sflag:s28] =	ssyncset.done $0x0  }
0x82: {  	s29 =	rddreg [dreg:$0x16];
	[sflag:s28] =	ssyncadd.s32 $0xFFFF8000  }
0x83: {  	[hbm4b:s29+s2] =	stream.linear.scatter [tilespmem:s25], [sflag:$0x3], $0x8000, $0x38;
	[tilespmem:$0x11400] =	vst v63  }
0x84: {  	_ =	swait.ge [sflag:s4], $0x8000  }
0x85: {  	[sflag:s4] =	ssyncset.done $0x0  }
0x86: {  	s29 =	simm.s32 $0x2;
	[sflag:s4] =	ssyncadd.s32 $0xFFFF8000  }
0x87: {  	[tilespmem:s25], [sflag:$0x1] =	stream.indirect.gather [hbm4b:s24+s5], $0x80, s6, s5, $0xb8;
	[tilespmem:$0x11400] =	vst v63  }
0x88: {  	_ =	swait.ge [sflag:s29], $0x8000  }
0x89: {  	[sflag:s29] =	ssyncset.done $0x0  }
0x8a: {  	s30 =	rddreg [dreg:$0x17];
	[sflag:s29] =	ssyncadd.s32 $0xFFFF8000  }
0x8b: {  	[hbm4b:s30+s2] =	stream.linear.scatter [tilespmem:s26], [sflag:$0x3], $0x8000, $0x38;
	[tilespmem:$0x11400] =	vst v63  }
0x8c: {  	_ =	swait.ge [sflag:s4], $0x8000  }
0x8d: {  	[sflag:s4] =	ssyncset.done $0x0  }
0x8e: {  	[sflag:s4] =	ssyncadd.s32 $0xFFFF8000  }
0x8f: {  	[tilespmem:s26], [sflag:$0x2] =	stream.indirect.gather [hbm4b:s24+s5], $0x80, s7, s5, $0xb8;
	[tilespmem:$0x11400] =	vst v63  }
0x90: {  	_ =	swait.ge [sflag:s28], $0x8000  }
0x91: {  	[sflag:s28] =	ssyncset.done $0x0  }
0x92: {  	s30 =	rddreg [dreg:$0x18];
	[sflag:s28] =	ssyncadd.s32 $0xFFFF8000  }
0x93: {  	[hbm4b:s30+s2] =	stream.linear.scatter [tilespmem:s25], [sflag:$0x3], $0x8000, $0x38;
	[tilespmem:$0x11400] =	vst v63  }
0x94: {  	_ =	swait.ge [sflag:s4], $0x8000  }
0x95: {  	[sflag:s4] =	ssyncset.done $0x0  }
0x96: {  	[sflag:s4] =	ssyncadd.s32 $0xFFFF8000  }
0x97: {  	[tilespmem:s25], [sflag:$0x1] =	stream.indirect.gather [hbm4b:s24+s5], $0x80, s8, s5, $0xb8;
	[tilespmem:$0x11400] =	vst v63  }
0x98: {  	_ =	swait.ge [sflag:s29], $0x8000  }
0x99: {  	[sflag:s29] =	ssyncset.done $0x0  }
0x9a: {  	s30 =	rddreg [dreg:$0x19];
	[sflag:s29] =	ssyncadd.s32 $0xFFFF8000  }
0x9b: {  	[hbm4b:s30+s2] =	stream.linear.scatter [tilespmem:s26], [sflag:$0x3], $0x8000, $0x38;
	[tilespmem:$0x11400] =	vst v63  }
0x9c: {  	_ =	swait.ge [sflag:s4], $0x8000  }
0x9d: {  	[sflag:s4] =	ssyncset.done $0x0  }
0x9e: {  	[sflag:s4] =	ssyncadd.s32 $0xFFFF8000  }
0x9f: {  	[tilespmem:s26], [sflag:$0x2] =	stream.indirect.gather [hbm4b:s24+s5], $0x80, s9, s5, $0xb8;
	[tilespmem:$0x11400] =	vst v63  }
0xa0: {  	_ =	swait.ge [sflag:s28], $0x8000  }
0xa1: {  	[sflag:s28] =	ssyncset.done $0x0  }
0xa2: {  	s30 =	rddreg [dreg:$0x1a];
	[sflag:s28] =	ssyncadd.s32 $0xFFFF8000  }
0xa3: {  	[hbm4b:s30+s2] =	stream.linear.scatter [tilespmem:s25], [sflag:$0x3], $0x8000, $0x38;
	[tilespmem:$0x11400] =	vst v63  }
0xa4: {  	_ =	swait.ge [sflag:s4], $0x8000  }
0xa5: {  	[sflag:s4] =	ssyncset.done $0x0  }
0xa6: {  	[sflag:s4] =	ssyncadd.s32 $0xFFFF8000  }
0xa7: {  	[tilespmem:s25], [sflag:$0x1] =	stream.indirect.gather [hbm4b:s24+s5], $0x80, s10, s5, $0xb8;
	[tilespmem:$0x11400] =	vst v63  }
0xa8: {  	_ =	swait.ge [sflag:s29], $0x8000  }
0xa9: {  	[sflag:s29] =	ssyncset.done $0x0  }
0xaa: {  	s30 =	rddreg [dreg:$0x1b];
	[sflag:s29] =	ssyncadd.s32 $0xFFFF8000  }
0xab: {  	[hbm4b:s30+s2] =	stream.linear.scatter [tilespmem:s26], [sflag:$0x3], $0x8000, $0x38;
	[tilespmem:$0x11400] =	vst v63  }
0xac: {  	_ =	swait.ge [sflag:s4], $0x8000  }
0xad: {  	[sflag:s4] =	ssyncset.done $0x0  }
0xae: {  	[sflag:s4] =	ssyncadd.s32 $0xFFFF8000  }
0xaf: {  	[tilespmem:s26], [sflag:$0x2] =	stream.indirect.gather [hbm4b:s24+s5], $0x80, s11, s5, $0xb8;
	[tilespmem:$0x11400] =	vst v63  }
0xb0: {  	_ =	swait.ge [sflag:s28], $0x8000  }
0xb1: {  	[sflag:s28] =	ssyncset.done $0x0  }
0xb2: {  	s30 =	rddreg [dreg:$0x1c];
	[sflag:s28] =	ssyncadd.s32 $0xFFFF8000  }
0xb3: {  	[hbm4b:s30+s2] =	stream.linear.scatter [tilespmem:s25], [sflag:$0x3], $0x8000, $0x38;
	[tilespmem:$0x11400] =	vst v63  }
0xb4: {  	_ =	swait.ge [sflag:s4], $0x8000  }
0xb5: {  	[sflag:s4] =	ssyncset.done $0x0  }
0xb6: {  	[sflag:s4] =	ssyncadd.s32 $0xFFFF8000  }
0xb7: {  	[tilespmem:s25], [sflag:$0x1] =	stream.indirect.gather [hbm4b:s24+s5], $0x80, s12, s5, $0xb8;
	[tilespmem:$0x11400] =	vst v63  }
0xb8: {  	_ =	swait.ge [sflag:s29], $0x8000  }
0xb9: {  	[sflag:s29] =	ssyncset.done $0x0  }
0xba: {  	s30 =	rddreg [dreg:$0x1d];
	[sflag:s29] =	ssyncadd.s32 $0xFFFF8000  }
0xbb: {  	[hbm4b:s30+s2] =	stream.linear.scatter [tilespmem:s26], [sflag:$0x3], $0x8000, $0x38;
	[tilespmem:$0x11400] =	vst v63  }
0xbc: {  	_ =	swait.ge [sflag:s4], $0x8000  }
0xbd: {  	[sflag:s4] =	ssyncset.done $0x0  }
0xbe: {  	[sflag:s4] =	ssyncadd.s32 $0xFFFF8000  }
0xbf: {  	[tilespmem:s26], [sflag:$0x2] =	stream.indirect.gather [hbm4b:s24+s5], $0x80, s13, s5, $0xb8;
	[tilespmem:$0x11400] =	vst v63  }
0xc0: {  	_ =	swait.ge [sflag:s28], $0x8000  }
0xc1: {  	[sflag:s28] =	ssyncset.done $0x0  }
0xc2: {  	s30 =	rddreg [dreg:$0x1e];
	[sflag:s28] =	ssyncadd.s32 $0xFFFF8000  }
0xc3: {  	[hbm4b:s30+s2] =	stream.linear.scatter [tilespmem:s25], [sflag:$0x3], $0x8000, $0x38;
	[tilespmem:$0x11400] =	vst v63  }
0xc4: {  	_ =	swait.ge [sflag:s4], $0x8000  }
0xc5: {  	[sflag:s4] =	ssyncset.done $0x0  }
0xc6: {  	[sflag:s4] =	ssyncadd.s32 $0xFFFF8000  }
0xc7: {  	[tilespmem:s25], [sflag:$0x1] =	stream.indirect.gather [hbm4b:s24+s5], $0x80, s14, s5, $0xb8;
	[tilespmem:$0x11400] =	vst v63  }
0xc8: {  	_ =	swait.ge [sflag:s29], $0x8000  }
0xc9: {  	[sflag:s29] =	ssyncset.done $0x0  }
0xca: {  	s30 =	rddreg [dreg:$0x1f];
	[sflag:s29] =	ssyncadd.s32 $0xFFFF8000  }
0xcb: {  	[hbm4b:s30+s2] =	stream.linear.scatter [tilespmem:s26], [sflag:$0x3], $0x8000, $0x38;
	[tilespmem:$0x11400] =	vst v63  }
0xcc: {  	_ =	swait.ge [sflag:s4], $0x8000  }
0xcd: {  	[sflag:s4] =	ssyncset.done $0x0  }
0xce: {  	[sflag:s4] =	ssyncadd.s32 $0xFFFF8000  }
0xcf: {  	[tilespmem:s26], [sflag:$0x2] =	stream.indirect.gather [hbm4b:s24+s5], $0x80, s15, s5, $0xb8;
	[tilespmem:$0x11400] =	vst v63  }
0xd0: {  	_ =	swait.ge [sflag:s28], $0x8000  }
0xd1: {  	s30 =	sld [smem:$0x7F6]  }
0xd2: {  	[sflag:s28] =	ssyncset.done $0x0  }
0xd3: {  	[sflag:s28] =	ssyncadd.s32 $0xFFFF8000  }
0xd4: {  	[hbm4b:s30+s2] =	stream.linear.scatter [tilespmem:s25], [sflag:$0x3], $0x8000, $0x38;
	[tilespmem:$0x11400] =	vst v63  }
0xd5: {  	_ =	swait.ge [sflag:s4], $0x8000  }
0xd6: {  	[sflag:s4] =	ssyncset.done $0x0  }
0xd7: {  	[sflag:s4] =	ssyncadd.s32 $0xFFFF8000  }
0xd8: {  	[tilespmem:s25], [sflag:$0x1] =	stream.indirect.gather [hbm4b:s24+s5], $0x80, s16, s5, $0xb8;
	[tilespmem:$0x11400] =	vst v63  }
0xd9: {  	_ =	swait.ge [sflag:s29], $0x8000  }
0xda: {  	s30 =	sld [smem:$0x7F7]  }
0xdb: {  	[sflag:s29] =	ssyncset.done $0x0  }
0xdc: {  	[sflag:s29] =	ssyncadd.s32 $0xFFFF8000  }
0xdd: {  	[hbm4b:s30+s2] =	stream.linear.scatter [tilespmem:s26], [sflag:$0x3], $0x8000, $0x38;
	[tilespmem:$0x11400] =	vst v63  }
0xde: {  	_ =	swait.ge [sflag:s4], $0x8000  }
0xdf: {  	[sflag:s4] =	ssyncset.done $0x0  }
0xe0: {  	[sflag:s4] =	ssyncadd.s32 $0xFFFF8000  }
0xe1: {  	[tilespmem:s26], [sflag:$0x2] =	stream.indirect.gather [hbm4b:s24+s5], $0x80, s17, s5, $0xb8;
	[tilespmem:$0x11400] =	vst v63  }
0xe2: {  	_ =	swait.ge [sflag:s28], $0x8000  }
0xe3: {  	s30 =	sld [smem:$0x7F8]  }
0xe4: {  	[sflag:s28] =	ssyncset.done $0x0  }
0xe5: {  	[sflag:s28] =	ssyncadd.s32 $0xFFFF8000  }
0xe6: {  	[hbm4b:s30+s2] =	stream.linear.scatter [tilespmem:s25], [sflag:$0x3], $0x8000, $0x38;
	[tilespmem:$0x11400] =	vst v63  }
0xe7: {  	_ =	swait.ge [sflag:s4], $0x8000  }
0xe8: {  	[sflag:s4] =	ssyncset.done $0x0  }
0xe9: {  	[sflag:s4] =	ssyncadd.s32 $0xFFFF8000  }
0xea: {  	[tilespmem:s25], [sflag:$0x1] =	stream.indirect.gather [hbm4b:s24+s5], $0x80, s18, s5, $0xb8;
	[tilespmem:$0x11400] =	vst v63  }
0xeb: {  	_ =	swait.ge [sflag:s29], $0x8000  }
0xec: {  	s30 =	sld [smem:$0x7F9]  }
0xed: {  	[sflag:s29] =	ssyncset.done $0x0  }
0xee: {  	[sflag:s29] =	ssyncadd.s32 $0xFFFF8000  }
0xef: {  	[hbm4b:s30+s2] =	stream.linear.scatter [tilespmem:s26], [sflag:$0x3], $0x8000, $0x38;
	[tilespmem:$0x11400] =	vst v63  }
0xf0: {  	_ =	swait.ge [sflag:s4], $0x8000  }
0xf1: {  	[sflag:s4] =	ssyncset.done $0x0  }
0xf2: {  	[sflag:s4] =	ssyncadd.s32 $0xFFFF8000  }
0xf3: {  	[tilespmem:s26], [sflag:$0x2] =	stream.indirect.gather [hbm4b:s24+s5], $0x80, s19, s5, $0xb8;
	[tilespmem:$0x11400] =	vst v63  }
0xf4: {  	_ =	swait.ge [sflag:s28], $0x8000  }
0xf5: {  	s30 =	sld [smem:$0x7FA]  }
0xf6: {  	[sflag:s28] =	ssyncset.done $0x0  }
0xf7: {  	[sflag:s28] =	ssyncadd.s32 $0xFFFF8000  }
0xf8: {  	[hbm4b:s30+s2] =	stream.linear.scatter [tilespmem:s25], [sflag:$0x3], $0x8000, $0x38;
	[tilespmem:$0x11400] =	vst v63  }
0xf9: {  	_ =	swait.ge [sflag:s4], $0x8000  }
0xfa: {  	[sflag:s4] =	ssyncset.done $0x0  }
0xfb: {  	[sflag:s4] =	ssyncadd.s32 $0xFFFF8000  }
0xfc: {  	[tilespmem:s25], [sflag:$0x1] =	stream.indirect.gather [hbm4b:s24+s5], $0x80, s20, s5, $0xb8;
	[tilespmem:$0x11400] =	vst v63  }
0xfd: {  	_ =	swait.ge [sflag:s29], $0x8000  }
0xfe: {  	s30 =	sld [smem:$0x7FB]  }
0xff: {  	[sflag:s29] =	ssyncset.done $0x0  }
0x100: {  	[sflag:s29] =	ssyncadd.s32 $0xFFFF8000  }
0x101: {  	[hbm4b:s30+s2] =	stream.linear.scatter [tilespmem:s26], [sflag:$0x3], $0x8000, $0x38;
	[tilespmem:$0x11400] =	vst v63  }
0x102: {  	_ =	swait.ge [sflag:s4], $0x8000  }
0x103: {  	[sflag:s4] =	ssyncset.done $0x0  }
0x104: {  	[sflag:s4] =	ssyncadd.s32 $0xFFFF8000  }
0x105: {  	[tilespmem:s26], [sflag:$0x2] =	stream.indirect.gather [hbm4b:s24+s5], $0x80, s21, s5, $0xb8;
	[tilespmem:$0x11400] =	vst v63  }
0x106: {  	_ =	swait.ge [sflag:s28], $0x8000  }
0x107: {  	s30 =	sld [smem:$0x7FC]  }
0x108: {  	[sflag:s28] =	ssyncset.done $0x0  }
0x109: {  	[sflag:s28] =	ssyncadd.s32 $0xFFFF8000  }
0x10a: {  	[hbm4b:s30+s2] =	stream.linear.scatter [tilespmem:s25], [sflag:$0x3], $0x8000, $0x38;
	[tilespmem:$0x11400] =	vst v63  }
0x10b: {  	_ =	swait.ge [sflag:s4], $0x8000  }
0x10c: {  	[sflag:s4] =	ssyncset.done $0x0  }
0x10d: {  	[sflag:s4] =	ssyncadd.s32 $0xFFFF8000  }
0x10e: {  	[tilespmem:s25], [sflag:$0x1] =	stream.indirect.gather [hbm4b:s24+s5], $0x80, s22, s5, $0xb8;
	[tilespmem:$0x11400] =	vst v63  }
0x10f: {  	_ =	swait.ge [sflag:s29], $0x8000  }
0x110: {  	s30 =	sld [smem:$0x7FD]  }
0x111: {  	[sflag:s29] =	ssyncset.done $0x0  }
0x112: {  	[sflag:s29] =	ssyncadd.s32 $0xFFFF8000  }
0x113: {  	[hbm4b:s30+s2] =	stream.linear.scatter [tilespmem:s26], [sflag:$0x3], $0x8000, $0x38;
	[tilespmem:$0x11400] =	vst v63  }
0x114: {  	_ =	swait.ge [sflag:s4], $0x8000  }
0x115: {  	[sflag:s4] =	ssyncset.done $0x0  }
0x116: {  	[sflag:s4] =	ssyncadd.s32 $0xFFFF8000  }
0x117: {  	[tilespmem:s26], [sflag:$0x2] =	stream.indirect.gather [hbm4b:s24+s5], $0x80, s23, s5, $0xb8;
	[tilespmem:$0x11400] =	vst v63  }
0x118: {  	_ =	swait.ge [sflag:s28], $0x8000  }
0x119: {  	[sflag:s28] =	ssyncset.done $0x0  }
0x11a: {  	s1 =	ssub.s32 $0x2, s1;
	s30 =	sadd.s32 $0xEE00, s31;
	[sflag:s28] =	ssyncadd.s32 $0xFFFF8000  }
0x11b: {  	[hbm4b:s30+s2] =	stream.linear.scatter [tilespmem:s25], [sflag:$0x3], $0x8000, $0x38;
	[tilespmem:$0x11400] =	vst v63  }
0x11c: {  	s0 =	sshrl.u32 s1, $0x1;
	_ =	swait.ge [sflag:s4], $0x8000  }
0x11d: {  	s0 =	ssub.s32 s1, s0;
	[sflag:s4] =	ssyncset.done $0x0  }
0x11e: {  	s0 =	smax.u32 s0, $0x1;
	[sflag:s4] =	ssyncadd.s32 $0xFFFF8000  }
0x11f: {  	p0 =	sne.s32 s0, $0x1;
	_ =	swait.ge [sflag:s29], $0x8000  }
.Ltmp0:
0x120: {  	[sflag:s29] =	ssyncset.done $0x0;
	(pc) =	sbr.rel @!p0 .LBB2_2-.Ltmp0, $4  }
0x121: {  	s31 =	sadd.s32 $0xFE00, s31;
	[sflag:s29] =	ssyncadd.s32 $0xFFFF8000  }
0x122: {  	[hbm4b:s31+s2] =	stream.linear.scatter [tilespmem:s26], [sflag:$0x3], $0x8000, $0x38;
	[tilespmem:$0x11400] =	vst v63  }
0x123: {  	_ =	swait.ge [sflag:s4], $0x8000  }
0x124: {  	s1 =	sadd.s32 $0xFFFFFFFF, s0;
	[sflag:s4] =	ssyncset.done $0x0  }
.LBB2_1:
0x125: {  	[sflag:s4] =	ssyncadd.s32 $0xFFFF8000  }
0x126: {  	[tilespmem:s2], [sflag:$0x3] =	stream.linear.gather [hbm4b:s3+s2], $0x100, $0x38;
	[tilespmem:$0x11400] =	vst v63  }
0x127: {  	_ =	swait.ge [sflag:s4], $0x100  }
0x128: {  	[sflag:s4] =	ssyncset.done $0x0  }
0x129: {  	s0 =	rddreg [dreg:$0x3];
	[sflag:s4] =	ssyncadd.s32 $0xFFFFFF00  }
0x12a: {  	[tilespmem:s5], [sflag:$0x3] =	stream.linear.gather [hbm4b:s0+s2], $0x100, $0x38;
	[tilespmem:$0x11400] =	vst v63  }
0x12b: {  	_ =	swait.ge [sflag:s4], $0x100  }
0x12c: {  	[sflag:s4] =	ssyncset.done $0x0  }
0x12d: {  	s0 =	rddreg [dreg:$0x4];
	[sflag:s4] =	ssyncadd.s32 $0xFFFFFF00  }
0x12e: {  	[tilespmem:s6], [sflag:$0x3] =	stream.linear.gather [hbm4b:s0+s2], $0x100, $0x38;
	[tilespmem:$0x11400] =	vst v63  }
0x12f: {  	_ =	swait.ge [sflag:s4], $0x100  }
0x130: {  	[sflag:s4] =	ssyncset.done $0x0  }
0x131: {  	s0 =	rddreg [dreg:$0x5];
	[sflag:s4] =	ssyncadd.s32 $0xFFFFFF00  }
0x132: {  	[tilespmem:s7], [sflag:$0x3] =	stream.linear.gather [hbm4b:s0+s2], $0x100, $0x38;
	[tilespmem:$0x11400] =	vst v63  }
0x133: {  	_ =	swait.ge [sflag:s4], $0x100  }
0x134: {  	[sflag:s4] =	ssyncset.done $0x0  }
0x135: {  	s0 =	rddreg [dreg:$0x6];
	[sflag:s4] =	ssyncadd.s32 $0xFFFFFF00  }
0x136: {  	[tilespmem:s8], [sflag:$0x3] =	stream.linear.gather [hbm4b:s0+s2], $0x100, $0x38;
	[tilespmem:$0x11400] =	vst v63  }
0x137: {  	_ =	swait.ge [sflag:s4], $0x100  }
0x138: {  	[sflag:s4] =	ssyncset.done $0x0  }
0x139: {  	s0 =	rddreg [dreg:$0x7];
	[sflag:s4] =	ssyncadd.s32 $0xFFFFFF00  }
0x13a: {  	[tilespmem:s9], [sflag:$0x3] =	stream.linear.gather [hbm4b:s0+s2], $0x100, $0x38;
	[tilespmem:$0x11400] =	vst v63  }
0x13b: {  	_ =	swait.ge [sflag:s4], $0x100  }
0x13c: {  	[sflag:s4] =	ssyncset.done $0x0  }
0x13d: {  	s0 =	rddreg [dreg:$0x8];
	[sflag:s4] =	ssyncadd.s32 $0xFFFFFF00  }
0x13e: {  	[tilespmem:s10], [sflag:$0x3] =	stream.linear.gather [hbm4b:s0+s2], $0x100, $0x38;
	[tilespmem:$0x11400] =	vst v63  }
0x13f: {  	_ =	swait.ge [sflag:s4], $0x100  }
0x140: {  	[sflag:s4] =	ssyncset.done $0x0  }
0x141: {  	s0 =	rddreg [dreg:$0x9];
	[sflag:s4] =	ssyncadd.s32 $0xFFFFFF00  }
0x142: {  	[tilespmem:s11], [sflag:$0x3] =	stream.linear.gather [hbm4b:s0+s2], $0x100, $0x38;
	[tilespmem:$0x11400] =	vst v63  }
0x143: {  	_ =	swait.ge [sflag:s4], $0x100  }
0x144: {  	[sflag:s4] =	ssyncset.done $0x0  }
0x145: {  	s0 =	rddreg [dreg:$0xa];
	[sflag:s4] =	ssyncadd.s32 $0xFFFFFF00  }
0x146: {  	[tilespmem:s12], [sflag:$0x3] =	stream.linear.gather [hbm4b:s0+s2], $0x100, $0x38;
	[tilespmem:$0x11400] =	vst v63  }
0x147: {  	_ =	swait.ge [sflag:s4], $0x100  }
0x148: {  	[sflag:s4] =	ssyncset.done $0x0  }
0x149: {  	s0 =	rddreg [dreg:$0xb];
	[sflag:s4] =	ssyncadd.s32 $0xFFFFFF00  }
0x14a: {  	[tilespmem:s13], [sflag:$0x3] =	stream.linear.gather [hbm4b:s0+s2], $0x100, $0x38;
	[tilespmem:$0x11400] =	vst v63  }
0x14b: {  	_ =	swait.ge [sflag:s4], $0x100  }
0x14c: {  	[sflag:s4] =	ssyncset.done $0x0  }
0x14d: {  	s0 =	rddreg [dreg:$0xc];
	[sflag:s4] =	ssyncadd.s32 $0xFFFFFF00  }
0x14e: {  	[tilespmem:s14], [sflag:$0x3] =	stream.linear.gather [hbm4b:s0+s2], $0x100, $0x38;
	[tilespmem:$0x11400] =	vst v63  }
0x14f: {  	_ =	swait.ge [sflag:s4], $0x100  }
0x150: {  	[sflag:s4] =	ssyncset.done $0x0  }
0x151: {  	s0 =	rddreg [dreg:$0xd];
	[sflag:s4] =	ssyncadd.s32 $0xFFFFFF00  }
0x152: {  	[tilespmem:s15], [sflag:$0x3] =	stream.linear.gather [hbm4b:s0+s2], $0x100, $0x38;
	[tilespmem:$0x11400] =	vst v63  }
0x153: {  	_ =	swait.ge [sflag:s4], $0x100  }
0x154: {  	[sflag:s4] =	ssyncset.done $0x0  }
0x155: {  	s0 =	rddreg [dreg:$0xe];
	[sflag:s4] =	ssyncadd.s32 $0xFFFFFF00  }
0x156: {  	[tilespmem:s16], [sflag:$0x3] =	stream.linear.gather [hbm4b:s0+s2], $0x100, $0x38;
	[tilespmem:$0x11400] =	vst v63  }
0x157: {  	_ =	swait.ge [sflag:s4], $0x100  }
0x158: {  	[sflag:s4] =	ssyncset.done $0x0  }
0x159: {  	s0 =	rddreg [dreg:$0xf];
	[sflag:s4] =	ssyncadd.s32 $0xFFFFFF00  }
0x15a: {  	[tilespmem:s17], [sflag:$0x3] =	stream.linear.gather [hbm4b:s0+s2], $0x100, $0x38;
	[tilespmem:$0x11400] =	vst v63  }
0x15b: {  	_ =	swait.ge [sflag:s4], $0x100  }
0x15c: {  	[sflag:s4] =	ssyncset.done $0x0  }
0x15d: {  	s0 =	rddreg [dreg:$0x10];
	[sflag:s4] =	ssyncadd.s32 $0xFFFFFF00  }
0x15e: {  	[tilespmem:s18], [sflag:$0x3] =	stream.linear.gather [hbm4b:s0+s2], $0x100, $0x38;
	[tilespmem:$0x11400] =	vst v63  }
0x15f: {  	_ =	swait.ge [sflag:s4], $0x100  }
0x160: {  	[sflag:s4] =	ssyncset.done $0x0  }
0x161: {  	s0 =	rddreg [dreg:$0x11];
	[sflag:s4] =	ssyncadd.s32 $0xFFFFFF00  }
0x162: {  	[tilespmem:s19], [sflag:$0x3] =	stream.linear.gather [hbm4b:s0+s2], $0x100, $0x38;
	[tilespmem:$0x11400] =	vst v63  }
0x163: {  	_ =	swait.ge [sflag:s4], $0x100  }
0x164: {  	[sflag:s4] =	ssyncset.done $0x0  }
0x165: {  	s0 =	rddreg [dreg:$0x12];
	[sflag:s4] =	ssyncadd.s32 $0xFFFFFF00  }
0x166: {  	[tilespmem:s20], [sflag:$0x3] =	stream.linear.gather [hbm4b:s0+s2], $0x100, $0x38;
	[tilespmem:$0x11400] =	vst v63  }
0x167: {  	_ =	swait.ge [sflag:s4], $0x100  }
0x168: {  	[sflag:s4] =	ssyncset.done $0x0  }
0x169: {  	s0 =	rddreg [dreg:$0x13];
	[sflag:s4] =	ssyncadd.s32 $0xFFFFFF00  }
0x16a: {  	[tilespmem:s21], [sflag:$0x3] =	stream.linear.gather [hbm4b:s0+s2], $0x100, $0x38;
	[tilespmem:$0x11400] =	vst v63  }
0x16b: {  	_ =	swait.ge [sflag:s4], $0x100  }
0x16c: {  	[sflag:s4] =	ssyncset.done $0x0  }
0x16d: {  	s0 =	rddreg [dreg:$0x14];
	[sflag:s4] =	ssyncadd.s32 $0xFFFFFF00  }
0x16e: {  	[tilespmem:s22], [sflag:$0x3] =	stream.linear.gather [hbm4b:s0+s2], $0x100, $0x38;
	[tilespmem:$0x11400] =	vst v63  }
0x16f: {  	_ =	swait.ge [sflag:s4], $0x100  }
0x170: {  	[sflag:s4] =	ssyncset.done $0x0  }
0x171: {  	s0 =	rddreg [dreg:$0x15];
	[sflag:s4] =	ssyncadd.s32 $0xFFFFFF00  }
0x172: {  	[tilespmem:s23], [sflag:$0x3] =	stream.linear.gather [hbm4b:s0+s2], $0x100, $0x38;
	[tilespmem:$0x11400] =	vst v63  }
0x173: {  	_ =	swait.ge [sflag:s4], $0x100  }
0x174: {  	[sflag:s4] =	ssyncset.done $0x0  }
0x175: {  	[sflag:s4] =	ssyncadd.s32 $0xFFFFFF00  }
0x176: {  	[tilespmem:s25], [sflag:$0x1] =	stream.indirect.gather [hbm4b:s24+s5], $0x80, s2, s5, $0xb8;
	[tilespmem:$0x11400] =	vst v63  }
0x177: {  	_ = 	snop  }
0x178: {  	[tilespmem:s26], [sflag:$0x2] =	stream.indirect.gather [hbm4b:s24+s5], $0x80, s5, s5, $0xb8;
	[tilespmem:$0x11400] =	vst v63  }
0x179: {  	_ =	swait.ge [sflag:s28], $0x8000  }
0x17a: {  	[sflag:s28] =	ssyncset.done $0x0  }
0x17b: {  	s0 =	rddreg [dreg:$0x16];
	[sflag:s28] =	ssyncadd.s32 $0xFFFF8000  }
0x17c: {  	[hbm4b:s0+s2] =	stream.linear.scatter [tilespmem:s25], [sflag:$0x3], $0x8000, $0x38;
	[tilespmem:$0x11400] =	vst v63  }
0x17d: {  	_ =	swait.ge [sflag:s4], $0x8000  }
0x17e: {  	[sflag:s4] =	ssyncset.done $0x0  }
0x17f: {  	[sflag:s4] =	ssyncadd.s32 $0xFFFF8000  }
0x180: {  	[tilespmem:s25], [sflag:$0x1] =	stream.indirect.gather [hbm4b:s24+s5], $0x80, s6, s5, $0xb8;
	[tilespmem:$0x11400] =	vst v63  }
0x181: {  	_ =	swait.ge [sflag:s29], $0x8000  }
0x182: {  	[sflag:s29] =	ssyncset.done $0x0  }
0x183: {  	s0 =	rddreg [dreg:$0x17];
	[sflag:s29] =	ssyncadd.s32 $0xFFFF8000  }
0x184: {  	[hbm4b:s0+s2] =	stream.linear.scatter [tilespmem:s26], [sflag:$0x3], $0x8000, $0x38;
	[tilespmem:$0x11400] =	vst v63  }
0x185: {  	_ =	swait.ge [sflag:s4], $0x8000  }
0x186: {  	[sflag:s4] =	ssyncset.done $0x0  }
0x187: {  	[sflag:s4] =	ssyncadd.s32 $0xFFFF8000  }
0x188: {  	[tilespmem:s26], [sflag:$0x2] =	stream.indirect.gather [hbm4b:s24+s5], $0x80, s7, s5, $0xb8;
	[tilespmem:$0x11400] =	vst v63  }
0x189: {  	_ =	swait.ge [sflag:s28], $0x8000  }
0x18a: {  	[sflag:s28] =	ssyncset.done $0x0  }
0x18b: {  	s0 =	rddreg [dreg:$0x18];
	[sflag:s28] =	ssyncadd.s32 $0xFFFF8000  }
0x18c: {  	[hbm4b:s0+s2] =	stream.linear.scatter [tilespmem:s25], [sflag:$0x3], $0x8000, $0x38;
	[tilespmem:$0x11400] =	vst v63  }
0x18d: {  	_ =	swait.ge [sflag:s4], $0x8000  }
0x18e: {  	[sflag:s4] =	ssyncset.done $0x0  }
0x18f: {  	[sflag:s4] =	ssyncadd.s32 $0xFFFF8000  }
0x190: {  	[tilespmem:s25], [sflag:$0x1] =	stream.indirect.gather [hbm4b:s24+s5], $0x80, s8, s5, $0xb8;
	[tilespmem:$0x11400] =	vst v63  }
0x191: {  	_ =	swait.ge [sflag:s29], $0x8000  }
0x192: {  	[sflag:s29] =	ssyncset.done $0x0  }
0x193: {  	s0 =	rddreg [dreg:$0x19];
	[sflag:s29] =	ssyncadd.s32 $0xFFFF8000  }
0x194: {  	[hbm4b:s0+s2] =	stream.linear.scatter [tilespmem:s26], [sflag:$0x3], $0x8000, $0x38;
	[tilespmem:$0x11400] =	vst v63  }
0x195: {  	_ =	swait.ge [sflag:s4], $0x8000  }
0x196: {  	[sflag:s4] =	ssyncset.done $0x0  }
0x197: {  	[sflag:s4] =	ssyncadd.s32 $0xFFFF8000  }
0x198: {  	[tilespmem:s26], [sflag:$0x2] =	stream.indirect.gather [hbm4b:s24+s5], $0x80, s9, s5, $0xb8;
	[tilespmem:$0x11400] =	vst v63  }
0x199: {  	_ =	swait.ge [sflag:s28], $0x8000  }
0x19a: {  	[sflag:s28] =	ssyncset.done $0x0  }
0x19b: {  	s0 =	rddreg [dreg:$0x1a];
	[sflag:s28] =	ssyncadd.s32 $0xFFFF8000  }
0x19c: {  	[hbm4b:s0+s2] =	stream.linear.scatter [tilespmem:s25], [sflag:$0x3], $0x8000, $0x38;
	[tilespmem:$0x11400] =	vst v63  }
0x19d: {  	_ =	swait.ge [sflag:s4], $0x8000  }
0x19e: {  	[sflag:s4] =	ssyncset.done $0x0  }
0x19f: {  	[sflag:s4] =	ssyncadd.s32 $0xFFFF8000  }
0x1a0: {  	[tilespmem:s25], [sflag:$0x1] =	stream.indirect.gather [hbm4b:s24+s5], $0x80, s10, s5, $0xb8;
	[tilespmem:$0x11400] =	vst v63  }
0x1a1: {  	_ =	swait.ge [sflag:s29], $0x8000  }
0x1a2: {  	[sflag:s29] =	ssyncset.done $0x0  }
0x1a3: {  	s0 =	rddreg [dreg:$0x1b];
	[sflag:s29] =	ssyncadd.s32 $0xFFFF8000  }
0x1a4: {  	[hbm4b:s0+s2] =	stream.linear.scatter [tilespmem:s26], [sflag:$0x3], $0x8000, $0x38;
	[tilespmem:$0x11400] =	vst v63  }
0x1a5: {  	_ =	swait.ge [sflag:s4], $0x8000  }
0x1a6: {  	[sflag:s4] =	ssyncset.done $0x0  }
0x1a7: {  	[sflag:s4] =	ssyncadd.s32 $0xFFFF8000  }
0x1a8: {  	[tilespmem:s26], [sflag:$0x2] =	stream.indirect.gather [hbm4b:s24+s5], $0x80, s11, s5, $0xb8;
	[tilespmem:$0x11400] =	vst v63  }
0x1a9: {  	_ =	swait.ge [sflag:s28], $0x8000  }
0x1aa: {  	[sflag:s28] =	ssyncset.done $0x0  }
0x1ab: {  	s0 =	rddreg [dreg:$0x1c];
	[sflag:s28] =	ssyncadd.s32 $0xFFFF8000  }
0x1ac: {  	[hbm4b:s0+s2] =	stream.linear.scatter [tilespmem:s25], [sflag:$0x3], $0x8000, $0x38;
	[tilespmem:$0x11400] =	vst v63  }
0x1ad: {  	_ =	swait.ge [sflag:s4], $0x8000  }
0x1ae: {  	[sflag:s4] =	ssyncset.done $0x0  }
0x1af: {  	[sflag:s4] =	ssyncadd.s32 $0xFFFF8000  }
0x1b0: {  	[tilespmem:s25], [sflag:$0x1] =	stream.indirect.gather [hbm4b:s24+s5], $0x80, s12, s5, $0xb8;
	[tilespmem:$0x11400] =	vst v63  }
0x1b1: {  	_ =	swait.ge [sflag:s29], $0x8000  }
0x1b2: {  	[sflag:s29] =	ssyncset.done $0x0  }
0x1b3: {  	s0 =	rddreg [dreg:$0x1d];
	[sflag:s29] =	ssyncadd.s32 $0xFFFF8000  }
0x1b4: {  	[hbm4b:s0+s2] =	stream.linear.scatter [tilespmem:s26], [sflag:$0x3], $0x8000, $0x38;
	[tilespmem:$0x11400] =	vst v63  }
0x1b5: {  	_ =	swait.ge [sflag:s4], $0x8000  }
0x1b6: {  	[sflag:s4] =	ssyncset.done $0x0  }
0x1b7: {  	[sflag:s4] =	ssyncadd.s32 $0xFFFF8000  }
0x1b8: {  	[tilespmem:s26], [sflag:$0x2] =	stream.indirect.gather [hbm4b:s24+s5], $0x80, s13, s5, $0xb8;
	[tilespmem:$0x11400] =	vst v63  }
0x1b9: {  	_ =	swait.ge [sflag:s28], $0x8000  }
0x1ba: {  	[sflag:s28] =	ssyncset.done $0x0  }
0x1bb: {  	s0 =	rddreg [dreg:$0x1e];
	[sflag:s28] =	ssyncadd.s32 $0xFFFF8000  }
0x1bc: {  	[hbm4b:s0+s2] =	stream.linear.scatter [tilespmem:s25], [sflag:$0x3], $0x8000, $0x38;
	[tilespmem:$0x11400] =	vst v63  }
0x1bd: {  	_ =	swait.ge [sflag:s4], $0x8000  }
0x1be: {  	[sflag:s4] =	ssyncset.done $0x0  }
0x1bf: {  	[sflag:s4] =	ssyncadd.s32 $0xFFFF8000  }
0x1c0: {  	[tilespmem:s25], [sflag:$0x1] =	stream.indirect.gather [hbm4b:s24+s5], $0x80, s14, s5, $0xb8;
	[tilespmem:$0x11400] =	vst v63  }
0x1c1: {  	_ =	swait.ge [sflag:s29], $0x8000  }
0x1c2: {  	[sflag:s29] =	ssyncset.done $0x0  }
0x1c3: {  	s0 =	rddreg [dreg:$0x1f];
	[sflag:s29] =	ssyncadd.s32 $0xFFFF8000  }
0x1c4: {  	[hbm4b:s0+s2] =	stream.linear.scatter [tilespmem:s26], [sflag:$0x3], $0x8000, $0x38;
	[tilespmem:$0x11400] =	vst v63  }
0x1c5: {  	_ =	swait.ge [sflag:s4], $0x8000  }
0x1c6: {  	[sflag:s4] =	ssyncset.done $0x0  }
0x1c7: {  	[sflag:s4] =	ssyncadd.s32 $0xFFFF8000  }
0x1c8: {  	[tilespmem:s26], [sflag:$0x2] =	stream.indirect.gather [hbm4b:s24+s5], $0x80, s15, s5, $0xb8;
	[tilespmem:$0x11400] =	vst v63  }
0x1c9: {  	_ =	swait.ge [sflag:s28], $0x8000  }
0x1ca: {  	s0 =	sld [smem:$0x7F6]  }
0x1cb: {  	[sflag:s28] =	ssyncset.done $0x0  }
0x1cc: {  	[sflag:s28] =	ssyncadd.s32 $0xFFFF8000  }
0x1cd: {  	[hbm4b:s0+s2] =	stream.linear.scatter [tilespmem:s25], [sflag:$0x3], $0x8000, $0x38;
	[tilespmem:$0x11400] =	vst v63  }
0x1ce: {  	_ =	swait.ge [sflag:s4], $0x8000  }
0x1cf: {  	[sflag:s4] =	ssyncset.done $0x0  }
0x1d0: {  	[sflag:s4] =	ssyncadd.s32 $0xFFFF8000  }
0x1d1: {  	[tilespmem:s25], [sflag:$0x1] =	stream.indirect.gather [hbm4b:s24+s5], $0x80, s16, s5, $0xb8;
	[tilespmem:$0x11400] =	vst v63  }
0x1d2: {  	_ =	swait.ge [sflag:s29], $0x8000  }
0x1d3: {  	s0 =	sld [smem:$0x7F7]  }
0x1d4: {  	[sflag:s29] =	ssyncset.done $0x0  }
0x1d5: {  	[sflag:s29] =	ssyncadd.s32 $0xFFFF8000  }
0x1d6: {  	[hbm4b:s0+s2] =	stream.linear.scatter [tilespmem:s26], [sflag:$0x3], $0x8000, $0x38;
	[tilespmem:$0x11400] =	vst v63  }
0x1d7: {  	_ =	swait.ge [sflag:s4], $0x8000  }
0x1d8: {  	[sflag:s4] =	ssyncset.done $0x0  }
0x1d9: {  	[sflag:s4] =	ssyncadd.s32 $0xFFFF8000  }
0x1da: {  	[tilespmem:s26], [sflag:$0x2] =	stream.indirect.gather [hbm4b:s24+s5], $0x80, s17, s5, $0xb8;
	[tilespmem:$0x11400] =	vst v63  }
0x1db: {  	_ =	swait.ge [sflag:s28], $0x8000  }
0x1dc: {  	s0 =	sld [smem:$0x7F8]  }
0x1dd: {  	[sflag:s28] =	ssyncset.done $0x0  }
0x1de: {  	[sflag:s28] =	ssyncadd.s32 $0xFFFF8000  }
0x1df: {  	[hbm4b:s0+s2] =	stream.linear.scatter [tilespmem:s25], [sflag:$0x3], $0x8000, $0x38;
	[tilespmem:$0x11400] =	vst v63  }
0x1e0: {  	_ =	swait.ge [sflag:s4], $0x8000  }
0x1e1: {  	[sflag:s4] =	ssyncset.done $0x0  }
0x1e2: {  	[sflag:s4] =	ssyncadd.s32 $0xFFFF8000  }
0x1e3: {  	[tilespmem:s25], [sflag:$0x1] =	stream.indirect.gather [hbm4b:s24+s5], $0x80, s18, s5, $0xb8;
	[tilespmem:$0x11400] =	vst v63  }
0x1e4: {  	_ =	swait.ge [sflag:s29], $0x8000  }
0x1e5: {  	s0 =	sld [smem:$0x7F9]  }
0x1e6: {  	[sflag:s29] =	ssyncset.done $0x0  }
0x1e7: {  	[sflag:s29] =	ssyncadd.s32 $0xFFFF8000  }
0x1e8: {  	[hbm4b:s0+s2] =	stream.linear.scatter [tilespmem:s26], [sflag:$0x3], $0x8000, $0x38;
	[tilespmem:$0x11400] =	vst v63  }
0x1e9: {  	_ =	swait.ge [sflag:s4], $0x8000  }
0x1ea: {  	[sflag:s4] =	ssyncset.done $0x0  }
0x1eb: {  	[sflag:s4] =	ssyncadd.s32 $0xFFFF8000  }
0x1ec: {  	[tilespmem:s26], [sflag:$0x2] =	stream.indirect.gather [hbm4b:s24+s5], $0x80, s19, s5, $0xb8;
	[tilespmem:$0x11400] =	vst v63  }
0x1ed: {  	_ =	swait.ge [sflag:s28], $0x8000  }
0x1ee: {  	s0 =	sld [smem:$0x7FA]  }
0x1ef: {  	[sflag:s28] =	ssyncset.done $0x0  }
0x1f0: {  	[sflag:s28] =	ssyncadd.s32 $0xFFFF8000  }
0x1f1: {  	[hbm4b:s0+s2] =	stream.linear.scatter [tilespmem:s25], [sflag:$0x3], $0x8000, $0x38;
	[tilespmem:$0x11400] =	vst v63  }
0x1f2: {  	_ =	swait.ge [sflag:s4], $0x8000  }
0x1f3: {  	[sflag:s4] =	ssyncset.done $0x0  }
0x1f4: {  	[sflag:s4] =	ssyncadd.s32 $0xFFFF8000  }
0x1f5: {  	[tilespmem:s25], [sflag:$0x1] =	stream.indirect.gather [hbm4b:s24+s5], $0x80, s20, s5, $0xb8;
	[tilespmem:$0x11400] =	vst v63  }
0x1f6: {  	_ =	swait.ge [sflag:s29], $0x8000  }
0x1f7: {  	s0 =	sld [smem:$0x7FB]  }
0x1f8: {  	[sflag:s29] =	ssyncset.done $0x0  }
0x1f9: {  	[sflag:s29] =	ssyncadd.s32 $0xFFFF8000  }
0x1fa: {  	[hbm4b:s0+s2] =	stream.linear.scatter [tilespmem:s26], [sflag:$0x3], $0x8000, $0x38;
	[tilespmem:$0x11400] =	vst v63  }
0x1fb: {  	_ =	swait.ge [sflag:s4], $0x8000  }
0x1fc: {  	[sflag:s4] =	ssyncset.done $0x0  }
0x1fd: {  	[sflag:s4] =	ssyncadd.s32 $0xFFFF8000  }
0x1fe: {  	[tilespmem:s26], [sflag:$0x2] =	stream.indirect.gather [hbm4b:s24+s5], $0x80, s21, s5, $0xb8;
	[tilespmem:$0x11400] =	vst v63  }
0x1ff: {  	_ =	swait.ge [sflag:s28], $0x8000  }
0x200: {  	s0 =	sld [smem:$0x7FC]  }
0x201: {  	[sflag:s28] =	ssyncset.done $0x0  }
0x202: {  	[sflag:s28] =	ssyncadd.s32 $0xFFFF8000  }
0x203: {  	[hbm4b:s0+s2] =	stream.linear.scatter [tilespmem:s25], [sflag:$0x3], $0x8000, $0x38;
	[tilespmem:$0x11400] =	vst v63  }
0x204: {  	_ =	swait.ge [sflag:s4], $0x8000  }
0x205: {  	[sflag:s4] =	ssyncset.done $0x0  }
0x206: {  	[sflag:s4] =	ssyncadd.s32 $0xFFFF8000  }
0x207: {  	[tilespmem:s25], [sflag:$0x1] =	stream.indirect.gather [hbm4b:s24+s5], $0x80, s22, s5, $0xb8;
	[tilespmem:$0x11400] =	vst v63  }
0x208: {  	_ =	swait.ge [sflag:s29], $0x8000  }
0x209: {  	s0 =	sld [smem:$0x7FD]  }
0x20a: {  	[sflag:s29] =	ssyncset.done $0x0  }
0x20b: {  	[sflag:s29] =	ssyncadd.s32 $0xFFFF8000  }
0x20c: {  	[hbm4b:s0+s2] =	stream.linear.scatter [tilespmem:s26], [sflag:$0x3], $0x8000, $0x38;
	[tilespmem:$0x11400] =	vst v63  }
0x20d: {  	_ =	swait.ge [sflag:s4], $0x8000  }
0x20e: {  	[sflag:s4] =	ssyncset.done $0x0  }
0x20f: {  	[sflag:s4] =	ssyncadd.s32 $0xFFFF8000  }
0x210: {  	[tilespmem:s26], [sflag:$0x2] =	stream.indirect.gather [hbm4b:s24+s5], $0x80, s23, s5, $0xb8;
	[tilespmem:$0x11400] =	vst v63  }
0x211: {  	_ =	swait.ge [sflag:s28], $0x8000  }
0x212: {  	[sflag:s28] =	ssyncset.done $0x0  }
0x213: {  	[sflag:s28] =	ssyncadd.s32 $0xFFFF8000  }
0x214: {  	[hbm4b:s30+s2] =	stream.linear.scatter [tilespmem:s25], [sflag:$0x3], $0x8000, $0x38;
	[tilespmem:$0x11400] =	vst v63  }
0x215: {  	_ =	swait.ge [sflag:s4], $0x8000  }
0x216: {  	[sflag:s4] =	ssyncset.done $0x0  }
0x217: {  	[sflag:s4] =	ssyncadd.s32 $0xFFFF8000  }
0x218: {  	p0 =	sne.s32 s1, $0x1;
	_ =	swait.ge [sflag:s29], $0x8000  }
.Ltmp1:
0x219: {  	[sflag:s29] =	ssyncset.done $0x0;
	(pc) =	sbr.rel @p0 .LBB2_1-.Ltmp1, $4  }
0x21a: {  	[sflag:s29] =	ssyncadd.s32 $0xFFFF8000  }
0x21b: {  	[hbm4b:s31+s2] =	stream.linear.scatter [tilespmem:s26], [sflag:$0x3], $0x8000, $0x38;
	[tilespmem:$0x11400] =	vst v63  }
0x21c: {  	_ =	swait.ge [sflag:s4], $0x8000  }
0x21d: {  	s1 =	sadd.s32 $0xFFFFFFFF, s1;
	[sflag:s4] =	ssyncset.done $0x0  }
.LBB2_2:
0x21e: {  	[sflag:s4] =	ssyncadd.s32 $0xFFFF8000  }
0x21f: {  	_ =	sfence.sel $0x180000  }
0x220: {  	[bflag:$0x0] =	sbarrier.arrive $0xFFFF  }
0x221: {  	_ =	strace $0x90000047  }
0x222: {  	s0 =	stileid.u32;
	[bflag:$0x2] =	sbarrier.arrive $0xFFFF  }
0x223: {  	p0 =	sne.s32 s0, $0x0;
	s0 =	rddreg [dreg:$0x2]  }
0x224: {  	s0 =	sadd.s32 @!p0 $0x100000, s0  }
0x225: {  	[sflag:s0] =	ssyncadd.tile.s32 @!p0 $0x1;
	_ =	shalt  }
.Lfunc_end2:
_tile_overlayer_lowered:
.L_overlay_start_2:
0x226: {  	(tag) =	ssettag $0x2  }
0x227: {  	s0 =	rddreg [dreg:$0x0];
	s2 =	stileid.u32  }
0x228: {  	s1 =	rddreg [dreg:$0x1];
	p0 =	sne.s32 s2, $0x0  }
0x229: {  	s3 =	rddreg [dreg:$0x2];
	[bflag:$0x3] =	sbarrier.arrive $0xFFFF;
	s2 =	simm.s32 @!p0 $0x1C03  }
0x22a: {  	[timem:s3], [sflag:s2] =	dma.local @!p0 [hbm:s0], s1  }
0x22b: {  	s0 =	simm.s32 @!p0 $0x3  }
0x22c: {  	_ =	swait.ge @!p0 [sflag:s0], s1  }
0x22d: {  	s1 =	ssub.s32 @!p0 $0x0, s1;
	[sflag:s0] =	ssyncset.done @!p0 $0x0  }
0x22e: {  	[sflag:s0] =	ssyncadd.s32 @!p0 s1  }
0x22f: {  	[bflag:$0x3] =	sbarrier.arrive $0xFFFF  }
0x230: {  	_ =	shalt  }

// kernel: sparse-core-data-format-call.cloned.1.call-start
scs
called_computation_lowered:
.L_overlay_start_0:
0x0: {  	s2 =	sld [smem:$0x3FD9]  }
0x1: {  	s3 =	sld [smem:$0x3FFE];
	_ =	sdelay $0x1  }
0x2: {  	s1 =	srdreg.scid  }
0x3: {  	s0 =	sand.u32 $0x1, s1  }
0x4: {  	s15 =	sshll.u32 s0, $0xA;
	s2 =	sadd.s32 s3, s2  }
0x5: {  	s2 =	sadd.s32 s2, s15  }
0x6: {  	[smem:$0x3FC6] =	sst s2  }
0x7: {  	_ = 	snop  }
0x8: {  	s2 =	sld [smem:$0x3FD0];
	_ =	sdelay $0x2  }
0x9: {  	s16 =	simm.s32 $0xA;
	s4 =	simm.s32 $0x10  }
0xa: {  	[smem:s4], [sflag:s16] =	dma.local [hbm:s2], $0x1  }
0xb: {  	_ =	swait.eq [sflag:s16], $0x1  }
0xc: {  	[sflag:s16] =	ssyncset.done $0x0  }
0xd: {  	[sflag:s16] =	ssyncadd.s32 $0xFFFFFFFF  }
0xe: {  	s17 =	sld [smem:$0x12];
	(tm) =	ssettm $0x1  }
0xf: {  	s18 =	sld [smem:$0x3FFB];
	_ =	sdelay $0x3  }
0x10: {  	_ =	strace s18  }
0x11: {  	s3 =	sld [smem:$0x3FFC];
	_ =	sdelay $0x3  }
0x12: {  	_ =	strace s3  }
0x13: {  	s3 =	sld [smem:$0x3FFD];
	_ =	sdelay $0x3  }
0x14: {  	_ =	strace s3  }
0x15: {  	_ =	strace $0x8FFFFFFF  }
0x16: {  	s19 =	sld [smem:$0x3FDB];
	_ =	sdelay $0x1  }
0x17: {  	s20 =	simm.s32 $_scs_section_size  }
0x18: {  	s5 =	simm.s32 $_size__tile_overlayer_lowered;
	s6 =	simm.s32 $_tile_overlayer_lowered  }
0x19: {  	s23 =	simm.s32 $0x1BFF;
	s22 =	sshll.u32 s6, $0x1;
	s3 =	sadd.s32 s20, s19  }
0x1a: {  	s7 =	simm.s32 $0x0;
	s21 =	sshll.u32 s5, $0x1;
	s5 =	sadd.s32 s22, s3  }
0x1b: {  	[timem:s7], [sflag:s23] =	dma.local [hbm:s5], s21  }
0x1c: {  	_ =	swait.ge [sflag:s23], s21  }
0x1d: {  	s4 =	ssub.s32 $0x0, s21;
	[sflag:s23] =	ssyncset.done $0x0  }
0x1e: {  	[sflag:s23] =	ssyncadd.s32 s4;
	_ =	sdelay $0x1  }
0x1f: {  	s24 =	simm.s32 $0x1B8B  }
0x20: {  	_ =	swait.ge [sflag:s24], $0x1  }
0x21: {  	[sflag:s24] =	ssyncset.done $0x0  }
0x22: {  	s26 =	simm.s32 $0x1B8E;
	s25 =	sld [smem:$0x3FFE];
	[sflag:s24] =	ssyncadd.s32 $0xFFFFFFFF  }
0x23: {  	s27 =	simm.s32 $execute0_lowered;
	[smem:$0x3FD2] =	sst s26  }
0x24: {  	s5 =	sshll.u32 s27, $0x1;
	_ =	strace $0x80000049;
	[dreg:$0x1] =	wrdreg $0xFFFFFFFF  }
0x25: {  	s28 =	simm.s32 $_size_execute0_lowered;
	s3 =	sadd.s32 s3, s5;
	[dreg:$0x0] =	wrdreg $0x0  }
0x26: {  	s5 =	sshll.u32 s28, $0x1;
	[dreg:$0x2] =	wrdreg s3  }
0x27: {  	[dreg:$0x3] =	wrdreg s5  }
0x28: {  	[dreg:$0x4] =	wrdreg $0xC0  }
0x29: {  	_ =	task [dreg:s7], $0x5FFFF  }
0x2a: {  	[dreg:$0x1] =	wrdreg $0xFFFFFFFF  }
0x2b: {  	[dreg:$0x0] =	wrdreg $0x60  }
0x2c: {  	[dreg:$0x2] =	wrdreg s25  }
0x2d: {  	[dreg:$0x3] =	wrdreg s17  }
0x2e: {  	[dreg:$0x4] =	wrdreg $0x9  }
0x2f: {  	_ =	task.clear_ibuf [dreg:s7], $0x5FFFF;
	_ =	strace $0x90000049  }
0x30: {  	s29 =	simm.s32 $0x9;
	_ =	strace $0x8000004B  }
0x31: {  	_ =	swait.ge [sflag:s29], $0x1  }
0x32: {  	[sflag:s29] =	ssyncadd.s32 $0xFFFFFFFF  }
0x33: {  	_ =	strace $0x9000004B  }
0x34: {  	_ =	sfence  }
0x35: {  	s30 =	sld [smem:$0x0];
	_ =	sdelay $0x2  }
0x36: {  	s31 =	sshll.u32 s1, $0xD;
	s1 =	sshrl.u32 s1, $0x2  }
0x37: {  	s3 =	sand.u32 $0x4000, s31;
	s1 =	sadd.s32 s1, s30  }
0x38: {  	s0 =	sor.u32 s3, s0;
	s1 =	sshll.u32 s1, $0x11  }
0x39: {  	s0 =	sor.u32 s1, s0  }
0x3a: {  	s0 =	sadd.s32 $0x8F2B, s0  }
0x3b: {  	[sflag:s0] =	ssyncadd.remote.s32 $0x1  }
0x3c: {  	_ =	sfence.sel $0xFFFF  }
0x3d: {  	[dreg:$0x0] =	wrdreg $0xFFFFFFFF;
	(pc) =	sbr.abs _section_cstart, $3  }
0x3e: {  	[dreg:$0x1] =	wrdreg $0xFFFFFFFF  }
0x3f: {  	_ =	task.clear_ibuf [dreg:s7], $0x2FFFF;
	_ =	strace $0x9FFFFFFF  }
0x40: {  	(tm) =	ssettm $0x7FFFFFFF  }
0x41: {  	_ =	shalt  }
tec
execute0_lowered:
.L_overlay_start_1:
0x0: {  	(tag) =	ssettag $0x1  }
0x1: {  	s0 =	srdreg.scid  }
0x2: {  	s1 =	sshll.u32 s0, $0x4  }
0x3: {  	s6 =	rddreg [dreg:$0x0];
	s0 =	stileid.u32;
	s1 =	sand.u32 $0x10, s1  }
0x4: {  	s3 =	rddreg [dreg:$0x1];
	s5 =	simm.s32 $0x1;
	s1 =	sor.u32 s0, s1  }
0x5: {  	s31 =	simm.s32 $0x2;
	s12 =	simm.s32 $0x0;
	s2 =	sshll.u32 s1, $0x7  }
0x6: {  	s8 =	simm.s32 $0x20000;
	s13 =	simm.s32 $0x0;
	s4 =	ssub.s32 $0x4000, s2  }
0x7: {  	s9 =	simm.s32 $0x0;
	s11 =	simm.s32 $0x0;
	s30 =	sand.u32 $0xF80, s4  }
.Ltmp0:
0x8: {  	s6 =	sadd.s32 $0x280E00, s6;
	p0 =	sne.s32 s30, $0x0;
	(pc) =	sbr.rel .LBB1_1-.Ltmp0, $4  }
0x9: {  	s1 =	rddreg [dreg:$0x2];
	s7 =	sshrl.u32 s4, $0xC;
	s5 =	simm.s32 @!p0 $0x0  }
0xa: {  	_ =	strace $0x8000004A;
	s4 =	simm.s32 $0x1;
	s5 =	sadd.s32 s5, s7  }
0xb: {  	s10 =	smov.u32 s2;
	[sflag:s4] =	ssyncpa.u1 $0x0;
	s5 =	sshll.u32 s5, $0x3  }
0xc: {  	[sflag:s31] =	ssyncpa.u1 $0x0;
	p0 =	por $0x0, $0x0;
	s7 =	sor.u32 $0x1, s5  }
.LBB1_4:
0xd: {  	s16 =	sshll.u32 s13, $0x3;
	s17 =	sand.u32 $0x78, s13  }
0xe: {  	s30 =	sand.u32 $0x1F800, s13;
	s12 =	sshll.u32 s12, $0x11;
	s16 =	sand.u32 $0x3C00, s16  }
0xf: {  	[tilespmem:s15+$0x810 ss:$0x81] =	vst.msk $0xffff, v2;
	s31 =	sand.u32 $0x7, s13;
	s16 =	sor.u32 s17, s16;
	s17 =	sadd.s32 s3, s30  }
0x10: {  	[tilespmem:s15+$0x1020 ss:$0x81] =	vst.msk $0xffff, v0;
	s13 =	sshll.u32 s31, $0x12;
	s12 =	sadd.s32 s12, s17;
	s16 =	sshrl.u32 s16, $0x3  }
0x11: {  	[tilespmem:s15+$0x0 ss:$0x81] =	vst.msk $0xffff, v1;
	s13 =	sor.u32 $0x400, s13;
	s12 =	sadd.s32 s16, s12  }
0x12: {  	[hbm4b:s12+s13] =	stream.strided.scatter [tilespmem:s14], [sflag:$0x2], $0x2000, s8, s13, $0x20;
	[tilespmem:$0x8080] =	vst v63  }
.LBB1_5:
0x13: {  	s14 =	sadd.s32 $0x1, s9  }
0x14: {  	s12 =	sadd.s32 $0x1000, s10;
	s16 =	smov.u32 s10;
	p2 =	sgt.s32 s14, $0x7  }
0x15: {  	s16 =	smov.u32 @p2 s12  }
0x16: {  	s14 =	simm.s32 @p2 $0x0;
	p2 =	sgt.s32 s16, $0x3FFF  }
0x17: {  	s16 =	smov.u32 @p2 s2;
	p2 =	sne.s32 s11, s7  }
.Ltmp1:
0x18: {  	p1 =	slt.u32 s11, $0x2;
	(pc) =	sbr.rel @!p2 .LBB1_6-.Ltmp1, $4  }
0x19: {  	s15 =	simm.s32 @!p1 $0x2  }
0x1a: {  	s13 =	smov.u32 s10;
	p0 =	por !p0, !p0;
	_ =	swait.ge @!p1 [sflag:s15], $0x2000  }
0x1b: {  	s12 =	smov.u32 s9;
	[sflag:s15] =	ssyncset.done @!p1 $0x0;
	s9 =	smov.u32 s14  }
0x1c: {  	s11 =	sadd.s32 $0x1, s11;
	[sflag:s15] =	ssyncadd.s32 @!p1 $0xFFFFE000;
	s10 =	smov.u32 s16  }
.LBB1_1:
0x1d: {  	p1 =	sge.u32 s11, s5  }
0x1e: {  	s31 =	sadd.s32 $0xFFFFFFFF, s11;
	s14 =	sxor.u32 @!p1 $0xFFFFFFFF, s11  }
0x1f: {  	s15 =	sshll.u32 @!p1 s10, $0x7;
	s16 =	sshll.u32 @!p1 s9, $0x4;
	s17 =	simm.s32 @!p1 $0x400  }
0x20: {  	s14 =	sshll.u32 @!p1 s14, $0xD;
	s16 =	sand.u32 @!p1 $0x70, s16;
	s15 =	sadd.s32 @!p1 s6, s15  }
0x21: {  	s14 =	sand.u32 @!p1 $0x2000, s14;
	s15 =	sadd.s32 @!p1 s16, s15;
	s16 =	simm.s32 @!p1 $0x40  }
0x22: {  	[tilespmem:s14], [sflag:$0x1] =	stream.strided.gather @!p1 [hbm4b:s15+s16], $0x2000, s17, s16, $0x38;
	[tilespmem:$0x8080] =	vst v63  }
0x23: {  	p1 =	sge.u32 s31, s5  }
.Ltmp2:
0x24: {  	_ = 	snop;
	(pc) =	sbr.rel @p1 .LBB1_5-.Ltmp2, $1  }
0x25: {  	_ =	sdelay $0x3  }
0x26: {  	s14 =	simm.s32 $0x1  }
0x27: {  	_ =	swait.ge [sflag:s4], $0x2000;
	s14 =	simm.s32 @!p0 $0x0  }
0x28: {  	[sflag:s4] =	ssyncset.done $0x0;
	s15 =	sshll.u32 s14, $0xD  }
0x29: {  	[sflag:s4] =	ssyncadd.s32 $0xFFFFE000;
	s18 =	sor.u32 $0x20, s15  }
0x2a: {  	s14 =	smul.u32 $0x8100, s14;
	v3 =	vld [tilespmem:s18+$0x10]  }
0x2b: {  	s30 =	sand.u32 $0x1, s11;
	v2 =	vld [tilespmem:s18+$0xFFFFFFF0]  }
0x2c: {  	s15 =	smul.u32 $0x8100, s30;
	s14 =	sshrl.u32 s14, $0x2;
	v0 =	vld [tilespmem:s18+$0x0]  }
0x2d: {  	v1 =	vld [tilespmem:s18+$0xFFFFFFE0];
	s16 =	sor.u32 $0x4000, s14  }
0x2e: {  	s31 =	sshrl.u32 s15, $0x2;
	s15 =	sadd.s32 $0x0, s16  }
0x2f: {  	s17 =	simm.s32 $0x4;
	s18 =	sadd.s32 $0x40, s18;
	s14 =	sor.u32 $0x4000, s31;
	[tilespmem:s15+$0x1830 ss:$0x81] =	vst.msk $0xffff, v3  }
.LBB1_3:
0x30: {  	v3 =	vld [tilespmem:s18+$0x10];
	p1 =	sne.s32 s17, $0x1FC;
	[tilespmem:s15+$0x810 ss:$0x81] =	vst.msk $0xffff, v2;
	s19 =	smov.u32 s17;
	s17 =	sadd.s32 $0x4, s17  }
.Ltmp3:
0x31: {  	v2 =	vld [tilespmem:s18+$0xFFFFFFF0];
	[tilespmem:s15+$0x1020 ss:$0x81] =	vst.msk $0xffff, v0;
	(pc) =	sbr.rel @p1 .LBB1_3-.Ltmp3, $4  }
0x32: {  	v0 =	vld [tilespmem:s18+$0x0];
	[tilespmem:s15+$0x0 ss:$0x81] =	vst.msk $0xffff, v1  }
0x33: {  	s15 =	sshra.s32 s19, $0x2;
	v1 =	vld [tilespmem:s18+$0xFFFFFFE0]  }
0x34: {  	s15 =	sadd.s32 s15, s16  }
0x35: {  	s18 =	sadd.s32 $0x40, s18;
	[tilespmem:s15+$0x1830 ss:$0x81] =	vst.msk $0xffff, v3  }
.Ltmp4:
0x36: {  	_ = 	snop;
	(pc) =	sbr.rel .LBB1_4-.Ltmp4, $1  }
0x37: {  	_ =	sdelay $0x3  }
.LBB1_6:
0x38: {  	_ =	sfence.sel $0x180000  }
0x39: {  	s2 =	simm.s32 $0x1;
	[bflag:$0x0] =	sbarrier.arrive $0xFFFF  }
0x3a: {  	s31 =	simm.s32 $0x2;
	[sflag:s2] =	ssyncpa.u1 $0x1  }
0x3b: {  	[sflag:s31] =	ssyncpa.u1 $0x1  }
0x3c: {  	p0 =	sne.s32 s0, $0x0;
	_ =	strace $0x9000004A  }
0x3d: {  	s0 =	sadd.s32 @!p0 $0x100000, s1;
	[bflag:$0x2] =	sbarrier.arrive $0xFFFF  }
0x3e: {  	[sflag:s0] =	ssyncadd.tile.s32 @!p0 $0x1;
	_ =	shalt  }
.Lfunc_end1:
_tile_overlayer_lowered:
.L_overlay_start_2:
0x3f: {  	(tag) =	ssettag $0x2  }
0x40: {  	s0 =	rddreg [dreg:$0x0];
	s2 =	stileid.u32  }
0x41: {  	s1 =	rddreg [dreg:$0x1];
	p0 =	sne.s32 s2, $0x0  }
0x42: {  	s3 =	rddreg [dreg:$0x2];
	[bflag:$0x3] =	sbarrier.arrive $0xFFFF;
	s2 =	simm.s32 @!p0 $0x1C01  }
0x43: {  	[timem:s3], [sflag:s2] =	dma.local @!p0 [hbm:s0], s1  }
0x44: {  	s0 =	simm.s32 @!p0 $0x1  }
0x45: {  	_ =	swait.ge @!p0 [sflag:s0], s1  }
0x46: {  	s1 =	ssub.s32 @!p0 $0x0, s1;
	[sflag:s0] =	ssyncset.done @!p0 $0x0  }
0x47: {  	[sflag:s0] =	ssyncadd.s32 @!p0 s1  }
0x48: {  	[bflag:$0x3] =	sbarrier.arrive $0xFFFF  }
0x49: {  	_ =	shalt  }

</sc_bundles>
